<compile_context>
chip_gen: v7x
topology: tpu7x:2x2x1
jax: 0.10.2.dev20260603
libtpu: 0.0.44.dev20260713+nightly
codegen_flags: <defaults>
</compile_context>

<pallas_src>
import functools

import jax
import jax.numpy as jnp
from jax import lax
from jax.experimental import pallas as pl
from jax.experimental.pallas import tpu as pltpu
from jax.experimental.pallas import tpu_sc as plsc


_NEG = -1e30


def _sc_gather(K_flat, V_flat, gidx, d, ch=32):
    n = gidx.shape[0]
    info = plsc.get_sparse_core_info()
    nw = info.num_cores * info.num_subcores
    per_w = n // nw
    mesh = plsc.VectorSubcoreMesh(core_axis_name="c", subcore_axis_name="s")
    out = jax.ShapeDtypeStruct((n, d), jnp.float32)

    @functools.partial(
        pl.kernel, mesh=mesh,
        out_type=[out, out],
        scratch_types=[
            pltpu.VMEM((per_w,), jnp.int32),
            pltpu.VMEM((ch, d), jnp.float32),
            pltpu.VMEM((ch, d), jnp.float32),
            pltpu.SemaphoreType.DMA,
            pltpu.SemaphoreType.DMA,
        ],
    )
    def k(kt_hbm, vt_hbm, gidx_hbm, ko_hbm, vo_hbm,
          idx_v, krows_v, vrows_v, ksem, vsem):
        wid = lax.axis_index("s") * info.num_cores + lax.axis_index("c")
        base = wid * per_w
        pltpu.sync_copy(gidx_hbm.at[pl.ds(base, per_w)], idx_v)
        for c in range(per_w // ch):
            kcp = pltpu.async_copy(
                kt_hbm.at[idx_v.at[pl.ds(c * ch, ch)]], krows_v, ksem)
            vcp = pltpu.async_copy(
                vt_hbm.at[idx_v.at[pl.ds(c * ch, ch)]], vrows_v, vsem)
            kcp.wait()
            pltpu.sync_copy(krows_v, ko_hbm.at[pl.ds(base + c * ch, ch)])
            vcp.wait()
            pltpu.sync_copy(vrows_v, vo_hbm.at[pl.ds(base + c * ch, ch)])

    return k(K_flat, V_flat, gidx)


def _qprobe_body(h_ref, q_ref):
    q_ref[...] = jnp.mean(h_ref[...], axis=1, keepdims=True)


def _qprobe(h):
    b, seq, d = h.shape
    return pl.pallas_call(
        _qprobe_body,
        grid=(b,),
        in_specs=[pl.BlockSpec((1, seq, d), lambda i: (i, 0, 0))],
        out_specs=pl.BlockSpec((1, 1, d), lambda i: (i, 0, 0)),
        out_shape=jax.ShapeDtypeStruct((b, 1, d), jnp.float32),
        compiler_params=pltpu.CompilerParams(
            dimension_semantics=("arbitrary",)),
    )(h)


def _surprise_body(q_ref, ka_ref, va_ref, ks_ref, vs_ref, *, scale):
    q = q_ref[0]
    for (c_ref, s_ref) in ((ka_ref, ks_ref), (va_ref, vs_ref)):
        rows = c_ref[0]
        l = jax.lax.dot_general(rows, q, (((1,), (1,)), ((), ()))) * scale
        lmax = jnp.max(l)
        e = jnp.exp(l - lmax)
        den = jnp.sum(e)
        num = jax.lax.dot_general(e, rows, (((0,), (0,)), ((), ())))
        pred = num / den
        s_ref[...] = jnp.mean((pred - q) ** 2)[None, None, None]


def _surprise(q3, Ka, Va):
    b, ng, d = Ka.shape
    scale = float(d) ** -0.5
    sca = jax.ShapeDtypeStruct((b, 1, 1), jnp.float32)
    sspec = pl.BlockSpec((1, 1, 1), lambda i: (i, 0, 0))
    big = pl.BlockSpec((1, ng, d), lambda i: (i, 0, 0))
    return pl.pallas_call(
        functools.partial(_surprise_body, scale=scale),
        grid=(b,),
        in_specs=[
            pl.BlockSpec((1, 1, d), lambda i: (i, 0, 0)),
            big, big,
        ],
        out_specs=[sspec, sspec],
        out_shape=[sca, sca],
        compiler_params=pltpu.CompilerParams(
            dimension_semantics=("arbitrary",)),
    )(q3, Ka, Va)


def _merge_body(ks_ref, vs_ref, mom_ref, idx_ref, wk_ref, bk_ref, wv_ref,
                bv_ref, eta_ref, alpha_ref, kc_ref, kp_ref, vc_ref, vp_ref,
                nm_ref, ko_ref, vo_ref, *, tm):
    mt = pl.program_id(1)
    ks = ks_ref[...]
    vs = vs_ref[...]
    alpha = jax.nn.sigmoid(alpha_ref[0, 0])
    comb = alpha * ks + (1.0 - alpha) * vs
    eta = jax.nn.sigmoid(eta_ref[0, 0])
    nm = eta * mom_ref[...] + (1.0 - eta) * comb

    @pl.when(mt == 0)
    def _():
        nm_ref[...] = nm

    idx = idx_ref[0]
    ng = idx.shape[-1]
    m_ids = mt * tm + jax.lax.broadcasted_iota(jnp.int32, (tm, 1), 0)
    sel = (idx == m_ids)
    n_iota = jax.lax.broadcasted_iota(jnp.int32, (tm, ng), 1)
    n_sel = jnp.max(jnp.where(sel, n_iota, -1), axis=1, keepdims=True)
    pick = sel & (n_iota == n_sel)
    active = n_sel >= 0

    for (s, w_ref, b_ref, c_ref, p_ref, o_ref) in (
            (ks, wk_ref, bk_ref, kc_ref, kp_ref, ko_ref),
            (vs, wv_ref, bv_ref, vc_ref, vp_ref, vo_ref)):
        gate = jax.nn.sigmoid(s[0] * w_ref[:, 0:1].T + nm[0] * w_ref[:, 1:2].T
                              + b_ref[...])
        g = jnp.sum(jnp.where(pick, gate, 0.0), axis=1, keepdims=True)
        g = jnp.where(active, g, 1.0)[None]
        o_ref[...] = g * c_ref[...] + (1.0 - g) * p_ref[...]


def _merge(ks, vs, mom3, idx3, Wk, bk2, Wv, bv2, eta2, alpha2,
           K_curr, K_prev, V_curr, V_prev, tm=256):
    b, m, d = K_curr.shape
    ng = idx3.shape[-1]
    sspec = pl.BlockSpec((1, 1, 1), lambda i, mt: (i, 0, 0))
    big = pl.BlockSpec((1, tm, d), lambda i, mt: (i, mt, 0))
    whole = lambda shape: pl.BlockSpec(
        shape, lambda i, mt, _s=shape: tuple(0 for _ in _s))
    out = jax.ShapeDtypeStruct((b, m, d), jnp.float32)
    return pl.pallas_call(
        functools.partial(_merge_body, tm=tm),
        grid=(b, m // tm),
        in_specs=[
            sspec, sspec, sspec,
            pl.BlockSpec((1, 1, ng), lambda i, mt: (i, 0, 0)),
            whole((ng, 2)), whole((1, ng)), whole((ng, 2)), whole((1, ng)),
            whole((1, 1)), whole((1, 1)),
            big, big, big, big,
        ],
        out_specs=[sspec, big, big],
        out_shape=[jax.ShapeDtypeStruct((b, 1, 1), jnp.float32), out, out],
        compiler_params=pltpu.CompilerParams(
            dimension_semantics=("parallel", "arbitrary")),
    )(ks, vs, mom3, idx3, Wk, bk2, Wv, bv2, eta2, alpha2,
      K_curr, K_prev, V_curr, V_prev)


def kernel(K_curr, V_curr, K_prev, V_prev, h, momentum, active_idx,
           Wk, bk, Wv, bv, logit_eta, surprise_logit_alpha):
    b, m, d = K_curr.shape
    ng = active_idx.shape[1]

    idx3 = active_idx.astype(jnp.int32).reshape(b, 1, ng)
    q3 = _qprobe(h)
    idx32 = active_idx.astype(jnp.int32)
    gidx = (idx32 + jnp.arange(b, dtype=jnp.int32)[:, None] * m).reshape(-1)
    Ka_flat, Va_flat = _sc_gather(
        K_curr.reshape(b * m, d), V_curr.reshape(b * m, d), gidx, d)
    ks, vs = _surprise(q3, Ka_flat.reshape(b, ng, d),
                       Va_flat.reshape(b, ng, d))
    nm3, K_out, V_out = _merge(
        ks, vs, momentum.reshape(b, 1, 1), idx3, Wk, bk.reshape(1, ng),
        Wv, bv.reshape(1, ng), jnp.reshape(logit_eta, (1, 1)),
        jnp.reshape(surprise_logit_alpha, (1, 1)),
        K_curr, K_prev, V_curr, V_prev)
    return (K_out, V_out, nm3.reshape(b, 1))

# --- scband reference (transcript-rebuilt; emitter-appended) ---
"""Pipeline reference for scband-surprise-gate-11433202942763 (READ-ONLY COPY).

The authoritative reference and input builder live on the scoring server;
editing this copy changes nothing except your own understanding.
"""

import jax, jax.numpy as jnp
import numpy as np

B = 8
M = 2048
D = 1024
NG = 1024
SEQ = 2048
TOPK = 16


def setup_inputs(seed: int = 0) -> dict:
    key = jax.random.key(seed)
    ks = jax.random.split(key, 10)
    K_curr = jax.random.normal(ks[0], (B, M, D), dtype=jnp.float32)
    V_curr = jax.random.normal(ks[1], (B, M, D), dtype=jnp.float32)
    K_prev = jax.random.normal(ks[2], (B, M, D), dtype=jnp.float32)
    V_prev = jax.random.normal(ks[3], (B, M, D), dtype=jnp.float32)
    h = jax.random.normal(ks[4], (B, SEQ, D), dtype=jnp.float32)
    momentum = jax.random.uniform(ks[5], (B, 1), dtype=jnp.float32)
    active_idx = jax.random.randint(ks[6], (B, NG), 0, M, dtype=jnp.int64)
    retention_bias = float(np.log(max(TOPK - 1, 1)))
    # nn.Linear(2, NG) params
    Wk = jax.random.normal(ks[7], (NG, 2), dtype=jnp.float32) * (1.0 / np.sqrt(2.0))
    bk = jnp.full((NG,), retention_bias, dtype=jnp.float32)
    Wv = jax.random.normal(ks[8], (NG, 2), dtype=jnp.float32) * (1.0 / np.sqrt(2.0))
    bv = jnp.full((NG,), retention_bias, dtype=jnp.float32)
    eta_init = 1.0 - 1.0 / SEQ
    logit_eta = jnp.asarray(np.log(eta_init / (1.0 - eta_init)), dtype=jnp.float32)
    surprise_logit_alpha = jnp.zeros((1,), dtype=jnp.float32)
    return {
        "K_curr": K_curr, "V_curr": V_curr, "K_prev": K_prev, "V_prev": V_prev,
        "h": h, "momentum": momentum, "active_idx": active_idx,
        "Wk": Wk, "bk": bk, "Wv": Wv, "bv": bv,
        "logit_eta": logit_eta, "surprise_logit_alpha": surprise_logit_alpha,
    }


def reference(K_curr, V_curr, K_prev, V_prev, h, momentum, active_idx,
              Wk, bk, Wv, bv, logit_eta, surprise_logit_alpha):
    Dd = K_curr.shape[-1]
    scale = Dd ** (-0.5)
    idx_exp = jnp.broadcast_to(active_idx[:, :, None], active_idx.shape + (Dd,))
    K_active = jnp.take_along_axis(K_curr, idx_exp, axis=1)
    K_prev_a = jnp.take_along_axis(K_prev, idx_exp, axis=1)
    V_active = jnp.take_along_axis(V_curr, idx_exp, axis=1)
    V_prev_a = jnp.take_along_axis(V_prev, idx_exp, axis=1)
    q_probe = jnp.mean(h, axis=1).astype(jnp.float32)
    k_logits = jnp.einsum('bd,bnd->bn', q_probe, K_active.astype(jnp.float32)) * scale
    k_attn = jax.nn.softmax(k_logits, axis=-1)
    k_predicted = jnp.einsum('bn,bnd->bd', k_attn, K_active.astype(jnp.float32))
    k_surprise = jnp.mean((k_predicted - q_probe) ** 2, axis=-1, keepdims=True)
    v_logits = jnp.einsum('bd,bnd->bn', q_probe, V_active.astype(jnp.float32)) * scale
    v_attn = jax.nn.softmax(v_logits, axis=-1)
    v_predicted = jnp.einsum('bn,bnd->bd', v_attn, V_active.astype(jnp.float32))
    v_surprise = jnp.mean((v_predicted - q_probe) ** 2, axis=-1, keepdims=True)
    alpha = jax.nn.sigmoid(surprise_logit_alpha)
    combined_surprise = alpha * k_surprise + (1.0 - alpha) * v_surprise
    eta = jax.nn.sigmoid(logit_eta.astype(jnp.float32))
    new_momentum = eta * momentum + (1.0 - eta) * combined_surprise
    k_gate_input = jnp.concatenate([k_surprise, new_momentum], axis=-1)
    v_gate_input = jnp.concatenate([v_surprise, new_momentum], axis=-1)
    k_gate = jax.nn.sigmoid(k_gate_input @ Wk.T + bk)[:, :, None]
    v_gate = jax.nn.sigmoid(v_gate_input @ Wv.T + bv)[:, :, None]
    K_gated_a = k_gate * K_active + (1.0 - k_gate) * K_prev_a
    V_gated_a = v_gate * V_active + (1.0 - v_gate) * V_prev_a
    b = jnp.arange(K_curr.shape[0])[:, None]
    K_gated = K_curr.at[b, active_idx].set(K_gated_a)
    V_gated = V_curr.at[b, active_idx].set(V_gated_a)
    return (K_gated, V_gated, new_momentum)

if __name__ == "__main__":
    import jax
    _d = setup_inputs()
    print(jax.jit(kernel)(*tuple(_d.values())))

</pallas_src>

<mosaic_0001>
#map = affine_map<(d0, d1) -> (0, 0)>
#map1 = affine_map<(d0, d1) -> (0)>
module attributes {stable_mosaic.version = 14 : i64} {
  func.func @k(%arg0: i32, %arg1: i32, %arg2: memref<16384x1024xf32, #tpu.memory_space<hbm>>, %arg3: memref<16384x1024xf32, #tpu.memory_space<hbm>>, %arg4: memref<8192xi32, #tpu.memory_space<hbm>>, %arg5: memref<8192x1024xf32, #tpu.memory_space<hbm>>, %arg6: memref<8192x1024xf32, #tpu.memory_space<hbm>>, %arg7: memref<256xi32, #tpu.memory_space<vmem>>, %arg8: memref<32x1024xf32, #tpu.memory_space<vmem>>, %arg9: memref<32x1024xf32, #tpu.memory_space<vmem>>, %arg10: memref<!tpu.dma_semaphore, #tpu.memory_space<semaphore_mem>>, %arg11: memref<!tpu.dma_semaphore, #tpu.memory_space<semaphore_mem>>) attributes {dimension_semantics = [#tpu.dimension_semantics<core_parallel>, #tpu.dimension_semantics<subcore_parallel>], iteration_bounds = array<i64: 2, 16>, scalar_prefetch = 0 : i64, scratch_operands = 5 : i64, tpu.core_type = #tpu.core_type<sc_vector_subcore>, window_params = [{transform_indices = #map}, {transform_indices = #map}, {transform_indices = #map1}, {transform_indices = #map}, {transform_indices = #map}]} {
    %mul3A = arith.constant 2 : i32
    %mul3A_0 = arith.muli %arg1, %mul3A : i32
    %add3A = arith.addi %mul3A_0, %arg0 : i32
    %mul3A_1 = arith.constant 256 : i32
    %mul3A_2 = arith.muli %add3A, %mul3A_1 : i32
    "tpu.region"() ({
      %run_scoped3A = tpu.sem_alloc : memref<!tpu.dma_semaphore, #tpu.memory_space<semaphore_mem>>
      %dma_start3A_193 = tpu.memref_slice %arg4[%mul3A_2] : memref<8192xi32, #tpu.memory_space<hbm>> -> memref<256xi32, #tpu.memory_space<hbm>>
      %dma_start3A_194 = tpu.memref_slice %arg4[%mul3A_2] : memref<8192xi32, #tpu.memory_space<hbm>> -> memref<256xi32, #tpu.memory_space<hbm>>
      tpu.enqueue_dma source(%dma_start3A_194 : memref<256xi32, #tpu.memory_space<hbm>>) target(%arg7 : memref<256xi32, #tpu.memory_space<vmem>>) target_semaphore(%run_scoped3A : memref<!tpu.dma_semaphore, #tpu.memory_space<semaphore_mem>>)
      %dma_wait3A_195 = tpu.memref_slice %arg4[%mul3A_2] : memref<8192xi32, #tpu.memory_space<hbm>> -> memref<256xi32, #tpu.memory_space<hbm>>
      %dma_wait3A_196 = tpu.memref_slice %arg4[%mul3A_2] : memref<8192xi32, #tpu.memory_space<hbm>> -> memref<256xi32, #tpu.memory_space<hbm>>
      tpu.wait_dma2 semaphore(%run_scoped3A : memref<!tpu.dma_semaphore, #tpu.memory_space<semaphore_mem>>) src(%dma_wait3A_196 : memref<256xi32, #tpu.memory_space<hbm>>) dst(%arg7 : memref<256xi32, #tpu.memory_space<vmem>>)
      tpu.yield
    }) : () -> ()
    %dma_start3A = arith.constant 0 : i32
    %dma_start3A_3 = tpu.memref_slice %arg7[%dma_start3A] : memref<256xi32, #tpu.memory_space<vmem>> -> memref<32xi32, #tpu.memory_space<vmem>>
    %dma_start3A_4 = arith.constant 0 : i32
    %dma_start3A_5 = arith.constant 0 : i32
    %dma_start3A_6 = tpu.memref_slice %arg2[%dma_start3A_4, %dma_start3A_5] : memref<16384x1024xf32, #tpu.memory_space<hbm>> -> memref<16384x1024xf32, #tpu.memory_space<hbm>>
    tpu.enqueue_indirect_dma source(%dma_start3A_6 : memref<16384x1024xf32, #tpu.memory_space<hbm>>) target(%arg8 : memref<32x1024xf32, #tpu.memory_space<vmem>>) offsets(%dma_start3A_3 : memref<32xi32, #tpu.memory_space<vmem>>) semaphore(%arg10 : memref<!tpu.dma_semaphore, #tpu.memory_space<semaphore_mem>>)
    %dma_start3A_7 = arith.constant 0 : i32
    %dma_start3A_8 = tpu.memref_slice %arg7[%dma_start3A_7] : memref<256xi32, #tpu.memory_space<vmem>> -> memref<32xi32, #tpu.memory_space<vmem>>
    %dma_start3A_9 = arith.constant 0 : i32
    %dma_start3A_10 = arith.constant 0 : i32
    %dma_start3A_11 = tpu.memref_slice %arg3[%dma_start3A_9, %dma_start3A_10] : memref<16384x1024xf32, #tpu.memory_space<hbm>> -> memref<16384x1024xf32, #tpu.memory_space<hbm>>
    tpu.enqueue_indirect_dma source(%dma_start3A_11 : memref<16384x1024xf32, #tpu.memory_space<hbm>>) target(%arg9 : memref<32x1024xf32, #tpu.memory_space<vmem>>) offsets(%dma_start3A_8 : memref<32xi32, #tpu.memory_space<vmem>>) semaphore(%arg11 : memref<!tpu.dma_semaphore, #tpu.memory_space<semaphore_mem>>)
    %dma_wait3A = arith.constant 0 : i32
    %dma_wait3A_12 = tpu.memref_slice %arg7[%dma_wait3A] : memref<256xi32, #tpu.memory_space<vmem>> -> memref<32xi32, #tpu.memory_space<vmem>>
    %dma_wait3A_13 = arith.constant 0 : i32
    %dma_wait3A_14 = arith.constant 0 : i32
    %dma_wait3A_15 = tpu.memref_slice %arg2[%dma_wait3A_13, %dma_wait3A_14] : memref<16384x1024xf32, #tpu.memory_space<hbm>> -> memref<16384x1024xf32, #tpu.memory_space<hbm>>
    tpu.wait_indirect_dma semaphore(%arg10 : memref<!tpu.dma_semaphore, #tpu.memory_space<semaphore_mem>>) src(%dma_wait3A_15 : memref<16384x1024xf32, #tpu.memory_space<hbm>>) dst(%arg8 : memref<32x1024xf32, #tpu.memory_space<vmem>>)
    %add3A_16 = arith.constant 0 : i32
    %add3A_17 = arith.addi %mul3A_2, %add3A_16 : i32
    "tpu.region"() ({
      %run_scoped3A = tpu.sem_alloc : memref<!tpu.dma_semaphore, #tpu.memory_space<semaphore_mem>>
      %dma_start3A_193 = arith.constant 0 : i32
      %dma_start3A_194 = tpu.memref_slice %arg5[%add3A_17, %dma_start3A_193] : memref<8192x1024xf32, #tpu.memory_space<hbm>> -> memref<32x1024xf32, #tpu.memory_space<hbm>>
      %dma_start3A_195 = arith.constant 0 : i32
      %dma_start3A_196 = tpu.memref_slice %arg5[%add3A_17, %dma_start3A_195] : memref<8192x1024xf32, #tpu.memory_space<hbm>> -> memref<32x1024xf32, #tpu.memory_space<hbm>>
      tpu.enqueue_dma source(%arg8 : memref<32x1024xf32, #tpu.memory_space<vmem>>) target(%dma_start3A_196 : memref<32x1024xf32, #tpu.memory_space<hbm>>) target_semaphore(%run_scoped3A : memref<!tpu.dma_semaphore, #tpu.memory_space<semaphore_mem>>)
      %dma_wait3A_197 = arith.constant 0 : i32
      %dma_wait3A_198 = tpu.memref_slice %arg5[%add3A_17, %dma_wait3A_197] : memref<8192x1024xf32, #tpu.memory_space<hbm>> -> memref<32x1024xf32, #tpu.memory_space<hbm>>
      %dma_wait3A_199 = arith.constant 0 : i32
      %dma_wait3A_200 = tpu.memref_slice %arg5[%add3A_17, %dma_wait3A_199] : memref<8192x1024xf32, #tpu.memory_space<hbm>> -> memref<32x1024xf32, #tpu.memory_space<hbm>>
      tpu.wait_dma2 semaphore(%run_scoped3A : memref<!tpu.dma_semaphore, #tpu.memory_space<semaphore_mem>>) src(%arg8 : memref<32x1024xf32, #tpu.memory_space<vmem>>) dst(%dma_wait3A_200 : memref<32x1024xf32, #tpu.memory_space<hbm>>)
      tpu.yield
    }) : () -> ()
    %dma_wait3A_18 = arith.constant 0 : i32
    %dma_wait3A_19 = tpu.memref_slice %arg7[%dma_wait3A_18] : memref<256xi32, #tpu.memory_space<vmem>> -> memref<32xi32, #tpu.memory_space<vmem>>
    %dma_wait3A_20 = arith.constant 0 : i32
    %dma_wait3A_21 = arith.constant 0 : i32
    %dma_wait3A_22 = tpu.memref_slice %arg3[%dma_wait3A_20, %dma_wait3A_21] : memref<16384x1024xf32, #tpu.memory_space<hbm>> -> memref<16384x1024xf32, #tpu.memory_space<hbm>>
    tpu.wait_indirect_dma semaphore(%arg11 : memref<!tpu.dma_semaphore, #tpu.memory_space<semaphore_mem>>) src(%dma_wait3A_22 : memref<16384x1024xf32, #tpu.memory_space<hbm>>) dst(%arg9 : memref<32x1024xf32, #tpu.memory_space<vmem>>)
    %add3A_23 = arith.constant 0 : i32
    %add3A_24 = arith.addi %mul3A_2, %add3A_23 : i32
    "tpu.region"() ({
      %run_scoped3A = tpu.sem_alloc : memref<!tpu.dma_semaphore, #tpu.memory_space<semaphore_mem>>
      %dma_start3A_193 = arith.constant 0 : i32
      %dma_start3A_194 = tpu.memref_slice %arg6[%add3A_24, %dma_start3A_193] : memref<8192x1024xf32, #tpu.memory_space<hbm>> -> memref<32x1024xf32, #tpu.memory_space<hbm>>
      %dma_start3A_195 = arith.constant 0 : i32
      %dma_start3A_196 = tpu.memref_slice %arg6[%add3A_24, %dma_start3A_195] : memref<8192x1024xf32, #tpu.memory_space<hbm>> -> memref<32x1024xf32, #tpu.memory_space<hbm>>
      tpu.enqueue_dma source(%arg9 : memref<32x1024xf32, #tpu.memory_space<vmem>>) target(%dma_start3A_196 : memref<32x1024xf32, #tpu.memory_space<hbm>>) target_semaphore(%run_scoped3A : memref<!tpu.dma_semaphore, #tpu.memory_space<semaphore_mem>>)
      %dma_wait3A_197 = arith.constant 0 : i32
      %dma_wait3A_198 = tpu.memref_slice %arg6[%add3A_24, %dma_wait3A_197] : memref<8192x1024xf32, #tpu.memory_space<hbm>> -> memref<32x1024xf32, #tpu.memory_space<hbm>>
      %dma_wait3A_199 = arith.constant 0 : i32
      %dma_wait3A_200 = tpu.memref_slice %arg6[%add3A_24, %dma_wait3A_199] : memref<8192x1024xf32, #tpu.memory_space<hbm>> -> memref<32x1024xf32, #tpu.memory_space<hbm>>
      tpu.wait_dma2 semaphore(%run_scoped3A : memref<!tpu.dma_semaphore, #tpu.memory_space<semaphore_mem>>) src(%arg9 : memref<32x1024xf32, #tpu.memory_space<vmem>>) dst(%dma_wait3A_200 : memref<32x1024xf32, #tpu.memory_space<hbm>>)
      tpu.yield
    }) : () -> ()
    %dma_start3A_25 = arith.constant 32 : i32
    %dma_start3A_26 = tpu.memref_slice %arg7[%dma_start3A_25] : memref<256xi32, #tpu.memory_space<vmem>> -> memref<32xi32, #tpu.memory_space<vmem>>
    %dma_start3A_27 = arith.constant 0 : i32
    %dma_start3A_28 = arith.constant 0 : i32
    %dma_start3A_29 = tpu.memref_slice %arg2[%dma_start3A_27, %dma_start3A_28] : memref<16384x1024xf32, #tpu.memory_space<hbm>> -> memref<16384x1024xf32, #tpu.memory_space<hbm>>
    tpu.enqueue_indirect_dma source(%dma_start3A_29 : memref<16384x1024xf32, #tpu.memory_space<hbm>>) target(%arg8 : memref<32x1024xf32, #tpu.memory_space<vmem>>) offsets(%dma_start3A_26 : memref<32xi32, #tpu.memory_space<vmem>>) semaphore(%arg10 : memref<!tpu.dma_semaphore, #tpu.memory_space<semaphore_mem>>)
    %dma_start3A_30 = arith.constant 32 : i32
    %dma_start3A_31 = tpu.memref_slice %arg7[%dma_start3A_30] : memref<256xi32, #tpu.memory_space<vmem>> -> memref<32xi32, #tpu.memory_space<vmem>>
    %dma_start3A_32 = arith.constant 0 : i32
    %dma_start3A_33 = arith.constant 0 : i32
    %dma_start3A_34 = tpu.memref_slice %arg3[%dma_start3A_32, %dma_start3A_33] : memref<16384x1024xf32, #tpu.memory_space<hbm>> -> memref<16384x1024xf32, #tpu.memory_space<hbm>>
    tpu.enqueue_indirect_dma source(%dma_start3A_34 : memref<16384x1024xf32, #tpu.memory_space<hbm>>) target(%arg9 : memref<32x1024xf32, #tpu.memory_space<vmem>>) offsets(%dma_start3A_31 : memref<32xi32, #tpu.memory_space<vmem>>) semaphore(%arg11 : memref<!tpu.dma_semaphore, #tpu.memory_space<semaphore_mem>>)
    %dma_wait3A_35 = arith.constant 32 : i32
    %dma_wait3A_36 = tpu.memref_slice %arg7[%dma_wait3A_35] : memref<256xi32, #tpu.memory_space<vmem>> -> memref<32xi32, #tpu.memory_space<vmem>>
    %dma_wait3A_37 = arith.constant 0 : i32
    %dma_wait3A_38 = arith.constant 0 : i32
    %dma_wait3A_39 = tpu.memref_slice %arg2[%dma_wait3A_37, %dma_wait3A_38] : memref<16384x1024xf32, #tpu.memory_space<hbm>> -> memref<16384x1024xf32, #tpu.memory_space<hbm>>
    tpu.wait_indirect_dma semaphore(%arg10 : memref<!tpu.dma_semaphore, #tpu.memory_space<semaphore_mem>>) src(%dma_wait3A_39 : memref<16384x1024xf32, #tpu.memory_space<hbm>>) dst(%arg8 : memref<32x1024xf32, #tpu.memory_space<vmem>>)
    %add3A_40 = arith.constant 32 : i32
    %add3A_41 = arith.addi %mul3A_2, %add3A_40 : i32
    "tpu.region"() ({
      %run_scoped3A = tpu.sem_alloc : memref<!tpu.dma_semaphore, #tpu.memory_space<semaphore_mem>>
      %dma_start3A_193 = arith.constant 0 : i32
      %dma_start3A_194 = tpu.memref_slice %arg5[%add3A_41, %dma_start3A_193] : memref<8192x1024xf32, #tpu.memory_space<hbm>> -> memref<32x1024xf32, #tpu.memory_space<hbm>>
      %dma_start3A_195 = arith.constant 0 : i32
      %dma_start3A_196 = tpu.memref_slice %arg5[%add3A_41, %dma_start3A_195] : memref<8192x1024xf32, #tpu.memory_space<hbm>> -> memref<32x1024xf32, #tpu.memory_space<hbm>>
      tpu.enqueue_dma source(%arg8 : memref<32x1024xf32, #tpu.memory_space<vmem>>) target(%dma_start3A_196 : memref<32x1024xf32, #tpu.memory_space<hbm>>) target_semaphore(%run_scoped3A : memref<!tpu.dma_semaphore, #tpu.memory_space<semaphore_mem>>)
      %dma_wait3A_197 = arith.constant 0 : i32
      %dma_wait3A_198 = tpu.memref_slice %arg5[%add3A_41, %dma_wait3A_197] : memref<8192x1024xf32, #tpu.memory_space<hbm>> -> memref<32x1024xf32, #tpu.memory_space<hbm>>
      %dma_wait3A_199 = arith.constant 0 : i32
      %dma_wait3A_200 = tpu.memref_slice %arg5[%add3A_41, %dma_wait3A_199] : memref<8192x1024xf32, #tpu.memory_space<hbm>> -> memref<32x1024xf32, #tpu.memory_space<hbm>>
      tpu.wait_dma2 semaphore(%run_scoped3A : memref<!tpu.dma_semaphore, #tpu.memory_space<semaphore_mem>>) src(%arg8 : memref<32x1024xf32, #tpu.memory_space<vmem>>) dst(%dma_wait3A_200 : memref<32x1024xf32, #tpu.memory_space<hbm>>)
      tpu.yield
    }) : () -> ()
    %dma_wait3A_42 = arith.constant 32 : i32
    %dma_wait3A_43 = tpu.memref_slice %arg7[%dma_wait3A_42] : memref<256xi32, #tpu.memory_space<vmem>> -> memref<32xi32, #tpu.memory_space<vmem>>
    %dma_wait3A_44 = arith.constant 0 : i32
    %dma_wait3A_45 = arith.constant 0 : i32
    %dma_wait3A_46 = tpu.memref_slice %arg3[%dma_wait3A_44, %dma_wait3A_45] : memref<16384x1024xf32, #tpu.memory_space<hbm>> -> memref<16384x1024xf32, #tpu.memory_space<hbm>>
    tpu.wait_indirect_dma semaphore(%arg11 : memref<!tpu.dma_semaphore, #tpu.memory_space<semaphore_mem>>) src(%dma_wait3A_46 : memref<16384x1024xf32, #tpu.memory_space<hbm>>) dst(%arg9 : memref<32x1024xf32, #tpu.memory_space<vmem>>)
    %add3A_47 = arith.constant 32 : i32
    %add3A_48 = arith.addi %mul3A_2, %add3A_47 : i32
    "tpu.region"() ({
      %run_scoped3A = tpu.sem_alloc : memref<!tpu.dma_semaphore, #tpu.memory_space<semaphore_mem>>
      %dma_start3A_193 = arith.constant 0 : i32
      %dma_start3A_194 = tpu.memref_slice %arg6[%add3A_48, %dma_start3A_193] : memref<8192x1024xf32, #tpu.memory_space<hbm>> -> memref<32x1024xf32, #tpu.memory_space<hbm>>
      %dma_start3A_195 = arith.constant 0 : i32
      %dma_start3A_196 = tpu.memref_slice %arg6[%add3A_48, %dma_start3A_195] : memref<8192x1024xf32, #tpu.memory_space<hbm>> -> memref<32x1024xf32, #tpu.memory_space<hbm>>
      tpu.enqueue_dma source(%arg9 : memref<32x1024xf32, #tpu.memory_space<vmem>>) target(%dma_start3A_196 : memref<32x1024xf32, #tpu.memory_space<hbm>>) target_semaphore(%run_scoped3A : memref<!tpu.dma_semaphore, #tpu.memory_space<semaphore_mem>>)
      %dma_wait3A_197 = arith.constant 0 : i32
      %dma_wait3A_198 = tpu.memref_slice %arg6[%add3A_48, %dma_wait3A_197] : memref<8192x1024xf32, #tpu.memory_space<hbm>> -> memref<32x1024xf32, #tpu.memory_space<hbm>>
      %dma_wait3A_199 = arith.constant 0 : i32
      %dma_wait3A_200 = tpu.memref_slice %arg6[%add3A_48, %dma_wait3A_199] : memref<8192x1024xf32, #tpu.memory_space<hbm>> -> memref<32x1024xf32, #tpu.memory_space<hbm>>
      tpu.wait_dma2 semaphore(%run_scoped3A : memref<!tpu.dma_semaphore, #tpu.memory_space<semaphore_mem>>) src(%arg9 : memref<32x1024xf32, #tpu.memory_space<vmem>>) dst(%dma_wait3A_200 : memref<32x1024xf32, #tpu.memory_space<hbm>>)
      tpu.yield
    }) : () -> ()
    %dma_start3A_49 = arith.constant 64 : i32
    %dma_start3A_50 = tpu.memref_slice %arg7[%dma_start3A_49] : memref<256xi32, #tpu.memory_space<vmem>> -> memref<32xi32, #tpu.memory_space<vmem>>
    %dma_start3A_51 = arith.constant 0 : i32
    %dma_start3A_52 = arith.constant 0 : i32
    %dma_start3A_53 = tpu.memref_slice %arg2[%dma_start3A_51, %dma_start3A_52] : memref<16384x1024xf32, #tpu.memory_space<hbm>> -> memref<16384x1024xf32, #tpu.memory_space<hbm>>
    tpu.enqueue_indirect_dma source(%dma_start3A_53 : memref<16384x1024xf32, #tpu.memory_space<hbm>>) target(%arg8 : memref<32x1024xf32, #tpu.memory_space<vmem>>) offsets(%dma_start3A_50 : memref<32xi32, #tpu.memory_space<vmem>>) semaphore(%arg10 : memref<!tpu.dma_semaphore, #tpu.memory_space<semaphore_mem>>)
    %dma_start3A_54 = arith.constant 64 : i32
    %dma_start3A_55 = tpu.memref_slice %arg7[%dma_start3A_54] : memref<256xi32, #tpu.memory_space<vmem>> -> memref<32xi32, #tpu.memory_space<vmem>>
    %dma_start3A_56 = arith.constant 0 : i32
    %dma_start3A_57 = arith.constant 0 : i32
    %dma_start3A_58 = tpu.memref_slice %arg3[%dma_start3A_56, %dma_start3A_57] : memref<16384x1024xf32, #tpu.memory_space<hbm>> -> memref<16384x1024xf32, #tpu.memory_space<hbm>>
    tpu.enqueue_indirect_dma source(%dma_start3A_58 : memref<16384x1024xf32, #tpu.memory_space<hbm>>) target(%arg9 : memref<32x1024xf32, #tpu.memory_space<vmem>>) offsets(%dma_start3A_55 : memref<32xi32, #tpu.memory_space<vmem>>) semaphore(%arg11 : memref<!tpu.dma_semaphore, #tpu.memory_space<semaphore_mem>>)
    %dma_wait3A_59 = arith.constant 64 : i32
    %dma_wait3A_60 = tpu.memref_slice %arg7[%dma_wait3A_59] : memref<256xi32, #tpu.memory_space<vmem>> -> memref<32xi32, #tpu.memory_space<vmem>>
    %dma_wait3A_61 = arith.constant 0 : i32
    %dma_wait3A_62 = arith.constant 0 : i32
    %dma_wait3A_63 = tpu.memref_slice %arg2[%dma_wait3A_61, %dma_wait3A_62] : memref<16384x1024xf32, #tpu.memory_space<hbm>> -> memref<16384x1024xf32, #tpu.memory_space<hbm>>
    tpu.wait_indirect_dma semaphore(%arg10 : memref<!tpu.dma_semaphore, #tpu.memory_space<semaphore_mem>>) src(%dma_wait3A_63 : memref<16384x1024xf32, #tpu.memory_space<hbm>>) dst(%arg8 : memref<32x1024xf32, #tpu.memory_space<vmem>>)
    %add3A_64 = arith.constant 64 : i32
    %add3A_65 = arith.addi %mul3A_2, %add3A_64 : i32
    "tpu.region"() ({
      %run_scoped3A = tpu.sem_alloc : memref<!tpu.dma_semaphore, #tpu.memory_space<semaphore_mem>>
      %dma_start3A_193 = arith.constant 0 : i32
      %dma_start3A_194 = tpu.memref_slice %arg5[%add3A_65, %dma_start3A_193] : memref<8192x1024xf32, #tpu.memory_space<hbm>> -> memref<32x1024xf32, #tpu.memory_space<hbm>>
      %dma_start3A_195 = arith.constant 0 : i32
      %dma_start3A_196 = tpu.memref_slice %arg5[%add3A_65, %dma_start3A_195] : memref<8192x1024xf32, #tpu.memory_space<hbm>> -> memref<32x1024xf32, #tpu.memory_space<hbm>>
      tpu.enqueue_dma source(%arg8 : memref<32x1024xf32, #tpu.memory_space<vmem>>) target(%dma_start3A_196 : memref<32x1024xf32, #tpu.memory_space<hbm>>) target_semaphore(%run_scoped3A : memref<!tpu.dma_semaphore, #tpu.memory_space<semaphore_mem>>)
      %dma_wait3A_197 = arith.constant 0 : i32
      %dma_wait3A_198 = tpu.memref_slice %arg5[%add3A_65, %dma_wait3A_197] : memref<8192x1024xf32, #tpu.memory_space<hbm>> -> memref<32x1024xf32, #tpu.memory_space<hbm>>
      %dma_wait3A_199 = arith.constant 0 : i32
      %dma_wait3A_200 = tpu.memref_slice %arg5[%add3A_65, %dma_wait3A_199] : memref<8192x1024xf32, #tpu.memory_space<hbm>> -> memref<32x1024xf32, #tpu.memory_space<hbm>>
      tpu.wait_dma2 semaphore(%run_scoped3A : memref<!tpu.dma_semaphore, #tpu.memory_space<semaphore_mem>>) src(%arg8 : memref<32x1024xf32, #tpu.memory_space<vmem>>) dst(%dma_wait3A_200 : memref<32x1024xf32, #tpu.memory_space<hbm>>)
      tpu.yield
    }) : () -> ()
    %dma_wait3A_66 = arith.constant 64 : i32
    %dma_wait3A_67 = tpu.memref_slice %arg7[%dma_wait3A_66] : memref<256xi32, #tpu.memory_space<vmem>> -> memref<32xi32, #tpu.memory_space<vmem>>
    %dma_wait3A_68 = arith.constant 0 : i32
    %dma_wait3A_69 = arith.constant 0 : i32
    %dma_wait3A_70 = tpu.memref_slice %arg3[%dma_wait3A_68, %dma_wait3A_69] : memref<16384x1024xf32, #tpu.memory_space<hbm>> -> memref<16384x1024xf32, #tpu.memory_space<hbm>>
    tpu.wait_indirect_dma semaphore(%arg11 : memref<!tpu.dma_semaphore, #tpu.memory_space<semaphore_mem>>) src(%dma_wait3A_70 : memref<16384x1024xf32, #tpu.memory_space<hbm>>) dst(%arg9 : memref<32x1024xf32, #tpu.memory_space<vmem>>)
    %add3A_71 = arith.constant 64 : i32
    %add3A_72 = arith.addi %mul3A_2, %add3A_71 : i32
    "tpu.region"() ({
      %run_scoped3A = tpu.sem_alloc : memref<!tpu.dma_semaphore, #tpu.memory_space<semaphore_mem>>
      %dma_start3A_193 = arith.constant 0 : i32
      %dma_start3A_194 = tpu.memref_slice %arg6[%add3A_72, %dma_start3A_193] : memref<8192x1024xf32, #tpu.memory_space<hbm>> -> memref<32x1024xf32, #tpu.memory_space<hbm>>
      %dma_start3A_195 = arith.constant 0 : i32
      %dma_start3A_196 = tpu.memref_slice %arg6[%add3A_72, %dma_start3A_195] : memref<8192x1024xf32, #tpu.memory_space<hbm>> -> memref<32x1024xf32, #tpu.memory_space<hbm>>
      tpu.enqueue_dma source(%arg9 : memref<32x1024xf32, #tpu.memory_space<vmem>>) target(%dma_start3A_196 : memref<32x1024xf32, #tpu.memory_space<hbm>>) target_semaphore(%run_scoped3A : memref<!tpu.dma_semaphore, #tpu.memory_space<semaphore_mem>>)
      %dma_wait3A_197 = arith.constant 0 : i32
      %dma_wait3A_198 = tpu.memref_slice %arg6[%add3A_72, %dma_wait3A_197] : memref<8192x1024xf32, #tpu.memory_space<hbm>> -> memref<32x1024xf32, #tpu.memory_space<hbm>>
      %dma_wait3A_199 = arith.constant 0 : i32
      %dma_wait3A_200 = tpu.memref_slice %arg6[%add3A_72, %dma_wait3A_199] : memref<8192x1024xf32, #tpu.memory_space<hbm>> -> memref<32x1024xf32, #tpu.memory_space<hbm>>
      tpu.wait_dma2 semaphore(%run_scoped3A : memref<!tpu.dma_semaphore, #tpu.memory_space<semaphore_mem>>) src(%arg9 : memref<32x1024xf32, #tpu.memory_space<vmem>>) dst(%dma_wait3A_200 : memref<32x1024xf32, #tpu.memory_space<hbm>>)
      tpu.yield
    }) : () -> ()
    %dma_start3A_73 = arith.constant 96 : i32
    %dma_start3A_74 = tpu.memref_slice %arg7[%dma_start3A_73] : memref<256xi32, #tpu.memory_space<vmem>> -> memref<32xi32, #tpu.memory_space<vmem>>
    %dma_start3A_75 = arith.constant 0 : i32
    %dma_start3A_76 = arith.constant 0 : i32
    %dma_start3A_77 = tpu.memref_slice %arg2[%dma_start3A_75, %dma_start3A_76] : memref<16384x1024xf32, #tpu.memory_space<hbm>> -> memref<16384x1024xf32, #tpu.memory_space<hbm>>
    tpu.enqueue_indirect_dma source(%dma_start3A_77 : memref<16384x1024xf32, #tpu.memory_space<hbm>>) target(%arg8 : memref<32x1024xf32, #tpu.memory_space<vmem>>) offsets(%dma_start3A_74 : memref<32xi32, #tpu.memory_space<vmem>>) semaphore(%arg10 : memref<!tpu.dma_semaphore, #tpu.memory_space<semaphore_mem>>)
    %dma_start3A_78 = arith.constant 96 : i32
    %dma_start3A_79 = tpu.memref_slice %arg7[%dma_start3A_78] : memref<256xi32, #tpu.memory_space<vmem>> -> memref<32xi32, #tpu.memory_space<vmem>>
    %dma_start3A_80 = arith.constant 0 : i32
    %dma_start3A_81 = arith.constant 0 : i32
    %dma_start3A_82 = tpu.memref_slice %arg3[%dma_start3A_80, %dma_start3A_81] : memref<16384x1024xf32, #tpu.memory_space<hbm>> -> memref<16384x1024xf32, #tpu.memory_space<hbm>>
    tpu.enqueue_indirect_dma source(%dma_start3A_82 : memref<16384x1024xf32, #tpu.memory_space<hbm>>) target(%arg9 : memref<32x1024xf32, #tpu.memory_space<vmem>>) offsets(%dma_start3A_79 : memref<32xi32, #tpu.memory_space<vmem>>) semaphore(%arg11 : memref<!tpu.dma_semaphore, #tpu.memory_space<semaphore_mem>>)
    %dma_wait3A_83 = arith.constant 96 : i32
    %dma_wait3A_84 = tpu.memref_slice %arg7[%dma_wait3A_83] : memref<256xi32, #tpu.memory_space<vmem>> -> memref<32xi32, #tpu.memory_space<vmem>>
    %dma_wait3A_85 = arith.constant 0 : i32
    %dma_wait3A_86 = arith.constant 0 : i32
    %dma_wait3A_87 = tpu.memref_slice %arg2[%dma_wait3A_85, %dma_wait3A_86] : memref<16384x1024xf32, #tpu.memory_space<hbm>> -> memref<16384x1024xf32, #tpu.memory_space<hbm>>
    tpu.wait_indirect_dma semaphore(%arg10 : memref<!tpu.dma_semaphore, #tpu.memory_space<semaphore_mem>>) src(%dma_wait3A_87 : memref<16384x1024xf32, #tpu.memory_space<hbm>>) dst(%arg8 : memref<32x1024xf32, #tpu.memory_space<vmem>>)
    %add3A_88 = arith.constant 96 : i32
    %add3A_89 = arith.addi %mul3A_2, %add3A_88 : i32
    "tpu.region"() ({
      %run_scoped3A = tpu.sem_alloc : memref<!tpu.dma_semaphore, #tpu.memory_space<semaphore_mem>>
      %dma_start3A_193 = arith.constant 0 : i32
      %dma_start3A_194 = tpu.memref_slice %arg5[%add3A_89, %dma_start3A_193] : memref<8192x1024xf32, #tpu.memory_space<hbm>> -> memref<32x1024xf32, #tpu.memory_space<hbm>>
      %dma_start3A_195 = arith.constant 0 : i32
      %dma_start3A_196 = tpu.memref_slice %arg5[%add3A_89, %dma_start3A_195] : memref<8192x1024xf32, #tpu.memory_space<hbm>> -> memref<32x1024xf32, #tpu.memory_space<hbm>>
      tpu.enqueue_dma source(%arg8 : memref<32x1024xf32, #tpu.memory_space<vmem>>) target(%dma_start3A_196 : memref<32x1024xf32, #tpu.memory_space<hbm>>) target_semaphore(%run_scoped3A : memref<!tpu.dma_semaphore, #tpu.memory_space<semaphore_mem>>)
      %dma_wait3A_197 = arith.constant 0 : i32
      %dma_wait3A_198 = tpu.memref_slice %arg5[%add3A_89, %dma_wait3A_197] : memref<8192x1024xf32, #tpu.memory_space<hbm>> -> memref<32x1024xf32, #tpu.memory_space<hbm>>
      %dma_wait3A_199 = arith.constant 0 : i32
      %dma_wait3A_200 = tpu.memref_slice %arg5[%add3A_89, %dma_wait3A_199] : memref<8192x1024xf32, #tpu.memory_space<hbm>> -> memref<32x1024xf32, #tpu.memory_space<hbm>>
      tpu.wait_dma2 semaphore(%run_scoped3A : memref<!tpu.dma_semaphore, #tpu.memory_space<semaphore_mem>>) src(%arg8 : memref<32x1024xf32, #tpu.memory_space<vmem>>) dst(%dma_wait3A_200 : memref<32x1024xf32, #tpu.memory_space<hbm>>)
      tpu.yield
    }) : () -> ()
    %dma_wait3A_90 = arith.constant 96 : i32
    %dma_wait3A_91 = tpu.memref_slice %arg7[%dma_wait3A_90] : memref<256xi32, #tpu.memory_space<vmem>> -> memref<32xi32, #tpu.memory_space<vmem>>
    %dma_wait3A_92 = arith.constant 0 : i32
    %dma_wait3A_93 = arith.constant 0 : i32
    %dma_wait3A_94 = tpu.memref_slice %arg3[%dma_wait3A_92, %dma_wait3A_93] : memref<16384x1024xf32, #tpu.memory_space<hbm>> -> memref<16384x1024xf32, #tpu.memory_space<hbm>>
    tpu.wait_indirect_dma semaphore(%arg11 : memref<!tpu.dma_semaphore, #tpu.memory_space<semaphore_mem>>) src(%dma_wait3A_94 : memref<16384x1024xf32, #tpu.memory_space<hbm>>) dst(%arg9 : memref<32x1024xf32, #tpu.memory_space<vmem>>)
    %add3A_95 = arith.constant 96 : i32
    %add3A_96 = arith.addi %mul3A_2, %add3A_95 : i32
    "tpu.region"() ({
      %run_scoped3A = tpu.sem_alloc : memref<!tpu.dma_semaphore, #tpu.memory_space<semaphore_mem>>
      %dma_start3A_193 = arith.constant 0 : i32
      %dma_start3A_194 = tpu.memref_slice %arg6[%add3A_96, %dma_start3A_193] : memref<8192x1024xf32, #tpu.memory_space<hbm>> -> memref<32x1024xf32, #tpu.memory_space<hbm>>
      %dma_start3A_195 = arith.constant 0 : i32
      %dma_start3A_196 = tpu.memref_slice %arg6[%add3A_96, %dma_start3A_195] : memref<8192x1024xf32, #tpu.memory_space<hbm>> -> memref<32x1024xf32, #tpu.memory_space<hbm>>
      tpu.enqueue_dma source(%arg9 : memref<32x1024xf32, #tpu.memory_space<vmem>>) target(%dma_start3A_196 : memref<32x1024xf32, #tpu.memory_space<hbm>>) target_semaphore(%run_scoped3A : memref<!tpu.dma_semaphore, #tpu.memory_space<semaphore_mem>>)
      %dma_wait3A_197 = arith.constant 0 : i32
      %dma_wait3A_198 = tpu.memref_slice %arg6[%add3A_96, %dma_wait3A_197] : memref<8192x1024xf32, #tpu.memory_space<hbm>> -> memref<32x1024xf32, #tpu.memory_space<hbm>>
      %dma_wait3A_199 = arith.constant 0 : i32
      %dma_wait3A_200 = tpu.memref_slice %arg6[%add3A_96, %dma_wait3A_199] : memref<8192x1024xf32, #tpu.memory_space<hbm>> -> memref<32x1024xf32, #tpu.memory_space<hbm>>
      tpu.wait_dma2 semaphore(%run_scoped3A : memref<!tpu.dma_semaphore, #tpu.memory_space<semaphore_mem>>) src(%arg9 : memref<32x1024xf32, #tpu.memory_space<vmem>>) dst(%dma_wait3A_200 : memref<32x1024xf32, #tpu.memory_space<hbm>>)
      tpu.yield
    }) : () -> ()
    %dma_start3A_97 = arith.constant 128 : i32
    %dma_start3A_98 = tpu.memref_slice %arg7[%dma_start3A_97] : memref<256xi32, #tpu.memory_space<vmem>> -> memref<32xi32, #tpu.memory_space<vmem>>
    %dma_start3A_99 = arith.constant 0 : i32
    %dma_start3A_100 = arith.constant 0 : i32
    %dma_start3A_101 = tpu.memref_slice %arg2[%dma_start3A_99, %dma_start3A_100] : memref<16384x1024xf32, #tpu.memory_space<hbm>> -> memref<16384x1024xf32, #tpu.memory_space<hbm>>
    tpu.enqueue_indirect_dma source(%dma_start3A_101 : memref<16384x1024xf32, #tpu.memory_space<hbm>>) target(%arg8 : memref<32x1024xf32, #tpu.memory_space<vmem>>) offsets(%dma_start3A_98 : memref<32xi32, #tpu.memory_space<vmem>>) semaphore(%arg10 : memref<!tpu.dma_semaphore, #tpu.memory_space<semaphore_mem>>)
    %dma_start3A_102 = arith.constant 128 : i32
    %dma_start3A_103 = tpu.memref_slice %arg7[%dma_start3A_102] : memref<256xi32, #tpu.memory_space<vmem>> -> memref<32xi32, #tpu.memory_space<vmem>>
    %dma_start3A_104 = arith.constant 0 : i32
    %dma_start3A_105 = arith.constant 0 : i32
    %dma_start3A_106 = tpu.memref_slice %arg3[%dma_start3A_104, %dma_start3A_105] : memref<16384x1024xf32, #tpu.memory_space<hbm>> -> memref<16384x1024xf32, #tpu.memory_space<hbm>>
    tpu.enqueue_indirect_dma source(%dma_start3A_106 : memref<16384x1024xf32, #tpu.memory_space<hbm>>) target(%arg9 : memref<32x1024xf32, #tpu.memory_space<vmem>>) offsets(%dma_start3A_103 : memref<32xi32, #tpu.memory_space<vmem>>) semaphore(%arg11 : memref<!tpu.dma_semaphore, #tpu.memory_space<semaphore_mem>>)
    %dma_wait3A_107 = arith.constant 128 : i32
    %dma_wait3A_108 = tpu.memref_slice %arg7[%dma_wait3A_107] : memref<256xi32, #tpu.memory_space<vmem>> -> memref<32xi32, #tpu.memory_space<vmem>>
    %dma_wait3A_109 = arith.constant 0 : i32
    %dma_wait3A_110 = arith.constant 0 : i32
    %dma_wait3A_111 = tpu.memref_slice %arg2[%dma_wait3A_109, %dma_wait3A_110] : memref<16384x1024xf32, #tpu.memory_space<hbm>> -> memref<16384x1024xf32, #tpu.memory_space<hbm>>
    tpu.wait_indirect_dma semaphore(%arg10 : memref<!tpu.dma_semaphore, #tpu.memory_space<semaphore_mem>>) src(%dma_wait3A_111 : memref<16384x1024xf32, #tpu.memory_space<hbm>>) dst(%arg8 : memref<32x1024xf32, #tpu.memory_space<vmem>>)
    %add3A_112 = arith.constant 128 : i32
    %add3A_113 = arith.addi %mul3A_2, %add3A_112 : i32
    "tpu.region"() ({
      %run_scoped3A = tpu.sem_alloc : memref<!tpu.dma_semaphore, #tpu.memory_space<semaphore_mem>>
      %dma_start3A_193 = arith.constant 0 : i32
      %dma_start3A_194 = tpu.memref_slice %arg5[%add3A_113, %dma_start3A_193] : memref<8192x1024xf32, #tpu.memory_space<hbm>> -> memref<32x1024xf32, #tpu.memory_space<hbm>>
      %dma_start3A_195 = arith.constant 0 : i32
      %dma_start3A_196 = tpu.memref_slice %arg5[%add3A_113, %dma_start3A_195] : memref<8192x1024xf32, #tpu.memory_space<hbm>> -> memref<32x1024xf32, #tpu.memory_space<hbm>>
      tpu.enqueue_dma source(%arg8 : memref<32x1024xf32, #tpu.memory_space<vmem>>) target(%dma_start3A_196 : memref<32x1024xf32, #tpu.memory_space<hbm>>) target_semaphore(%run_scoped3A : memref<!tpu.dma_semaphore, #tpu.memory_space<semaphore_mem>>)
      %dma_wait3A_197 = arith.constant 0 : i32
      %dma_wait3A_198 = tpu.memref_slice %arg5[%add3A_113, %dma_wait3A_197] : memref<8192x1024xf32, #tpu.memory_space<hbm>> -> memref<32x1024xf32, #tpu.memory_space<hbm>>
      %dma_wait3A_199 = arith.constant 0 : i32
      %dma_wait3A_200 = tpu.memref_slice %arg5[%add3A_113, %dma_wait3A_199] : memref<8192x1024xf32, #tpu.memory_space<hbm>> -> memref<32x1024xf32, #tpu.memory_space<hbm>>
      tpu.wait_dma2 semaphore(%run_scoped3A : memref<!tpu.dma_semaphore, #tpu.memory_space<semaphore_mem>>) src(%arg8 : memref<32x1024xf32, #tpu.memory_space<vmem>>) dst(%dma_wait3A_200 : memref<32x1024xf32, #tpu.memory_space<hbm>>)
      tpu.yield
    }) : () -> ()
    %dma_wait3A_114 = arith.constant 128 : i32
    %dma_wait3A_115 = tpu.memref_slice %arg7[%dma_wait3A_114] : memref<256xi32, #tpu.memory_space<vmem>> -> memref<32xi32, #tpu.memory_space<vmem>>
    %dma_wait3A_116 = arith.constant 0 : i32
    %dma_wait3A_117 = arith.constant 0 : i32
    %dma_wait3A_118 = tpu.memref_slice %arg3[%dma_wait3A_116, %dma_wait3A_117] : memref<16384x1024xf32, #tpu.memory_space<hbm>> -> memref<16384x1024xf32, #tpu.memory_space<hbm>>
    tpu.wait_indirect_dma semaphore(%arg11 : memref<!tpu.dma_semaphore, #tpu.memory_space<semaphore_mem>>) src(%dma_wait3A_118 : memref<16384x1024xf32, #tpu.memory_space<hbm>>) dst(%arg9 : memref<32x1024xf32, #tpu.memory_space<vmem>>)
    %add3A_119 = arith.constant 128 : i32
    %add3A_120 = arith.addi %mul3A_2, %add3A_119 : i32
    "tpu.region"() ({
      %run_scoped3A = tpu.sem_alloc : memref<!tpu.dma_semaphore, #tpu.memory_space<semaphore_mem>>
      %dma_start3A_193 = arith.constant 0 : i32
      %dma_start3A_194 = tpu.memref_slice %arg6[%add3A_120, %dma_start3A_193] : memref<8192x1024xf32, #tpu.memory_space<hbm>> -> memref<32x1024xf32, #tpu.memory_space<hbm>>
      %dma_start3A_195 = arith.constant 0 : i32
      %dma_start3A_196 = tpu.memref_slice %arg6[%add3A_120, %dma_start3A_195] : memref<8192x1024xf32, #tpu.memory_space<hbm>> -> memref<32x1024xf32, #tpu.memory_space<hbm>>
      tpu.enqueue_dma source(%arg9 : memref<32x1024xf32, #tpu.memory_space<vmem>>) target(%dma_start3A_196 : memref<32x1024xf32, #tpu.memory_space<hbm>>) target_semaphore(%run_scoped3A : memref<!tpu.dma_semaphore, #tpu.memory_space<semaphore_mem>>)
      %dma_wait3A_197 = arith.constant 0 : i32
      %dma_wait3A_198 = tpu.memref_slice %arg6[%add3A_120, %dma_wait3A_197] : memref<8192x1024xf32, #tpu.memory_space<hbm>> -> memref<32x1024xf32, #tpu.memory_space<hbm>>
      %dma_wait3A_199 = arith.constant 0 : i32
      %dma_wait3A_200 = tpu.memref_slice %arg6[%add3A_120, %dma_wait3A_199] : memref<8192x1024xf32, #tpu.memory_space<hbm>> -> memref<32x1024xf32, #tpu.memory_space<hbm>>
      tpu.wait_dma2 semaphore(%run_scoped3A : memref<!tpu.dma_semaphore, #tpu.memory_space<semaphore_mem>>) src(%arg9 : memref<32x1024xf32, #tpu.memory_space<vmem>>) dst(%dma_wait3A_200 : memref<32x1024xf32, #tpu.memory_space<hbm>>)
      tpu.yield
    }) : () -> ()
    %dma_start3A_121 = arith.constant 160 : i32
    %dma_start3A_122 = tpu.memref_slice %arg7[%dma_start3A_121] : memref<256xi32, #tpu.memory_space<vmem>> -> memref<32xi32, #tpu.memory_space<vmem>>
    %dma_start3A_123 = arith.constant 0 : i32
    %dma_start3A_124 = arith.constant 0 : i32
    %dma_start3A_125 = tpu.memref_slice %arg2[%dma_start3A_123, %dma_start3A_124] : memref<16384x1024xf32, #tpu.memory_space<hbm>> -> memref<16384x1024xf32, #tpu.memory_space<hbm>>
    tpu.enqueue_indirect_dma source(%dma_start3A_125 : memref<16384x1024xf32, #tpu.memory_space<hbm>>) target(%arg8 : memref<32x1024xf32, #tpu.memory_space<vmem>>) offsets(%dma_start3A_122 : memref<32xi32, #tpu.memory_space<vmem>>) semaphore(%arg10 : memref<!tpu.dma_semaphore, #tpu.memory_space<semaphore_mem>>)
    %dma_start3A_126 = arith.constant 160 : i32
    %dma_start3A_127 = tpu.memref_slice %arg7[%dma_start3A_126] : memref<256xi32, #tpu.memory_space<vmem>> -> memref<32xi32, #tpu.memory_space<vmem>>
    %dma_start3A_128 = arith.constant 0 : i32
    %dma_start3A_129 = arith.constant 0 : i32
    %dma_start3A_130 = tpu.memref_slice %arg3[%dma_start3A_128, %dma_start3A_129] : memref<16384x1024xf32, #tpu.memory_space<hbm>> -> memref<16384x1024xf32, #tpu.memory_space<hbm>>
    tpu.enqueue_indirect_dma source(%dma_start3A_130 : memref<16384x1024xf32, #tpu.memory_space<hbm>>) target(%arg9 : memref<32x1024xf32, #tpu.memory_space<vmem>>) offsets(%dma_start3A_127 : memref<32xi32, #tpu.memory_space<vmem>>) semaphore(%arg11 : memref<!tpu.dma_semaphore, #tpu.memory_space<semaphore_mem>>)
    %dma_wait3A_131 = arith.constant 160 : i32
    %dma_wait3A_132 = tpu.memref_slice %arg7[%dma_wait3A_131] : memref<256xi32, #tpu.memory_space<vmem>> -> memref<32xi32, #tpu.memory_space<vmem>>
    %dma_wait3A_133 = arith.constant 0 : i32
    %dma_wait3A_134 = arith.constant 0 : i32
    %dma_wait3A_135 = tpu.memref_slice %arg2[%dma_wait3A_133, %dma_wait3A_134] : memref<16384x1024xf32, #tpu.memory_space<hbm>> -> memref<16384x1024xf32, #tpu.memory_space<hbm>>
    tpu.wait_indirect_dma semaphore(%arg10 : memref<!tpu.dma_semaphore, #tpu.memory_space<semaphore_mem>>) src(%dma_wait3A_135 : memref<16384x1024xf32, #tpu.memory_space<hbm>>) dst(%arg8 : memref<32x1024xf32, #tpu.memory_space<vmem>>)
    %add3A_136 = arith.constant 160 : i32
    %add3A_137 = arith.addi %mul3A_2, %add3A_136 : i32
    "tpu.region"() ({
      %run_scoped3A = tpu.sem_alloc : memref<!tpu.dma_semaphore, #tpu.memory_space<semaphore_mem>>
      %dma_start3A_193 = arith.constant 0 : i32
      %dma_start3A_194 = tpu.memref_slice %arg5[%add3A_137, %dma_start3A_193] : memref<8192x1024xf32, #tpu.memory_space<hbm>> -> memref<32x1024xf32, #tpu.memory_space<hbm>>
      %dma_start3A_195 = arith.constant 0 : i32
      %dma_start3A_196 = tpu.memref_slice %arg5[%add3A_137, %dma_start3A_195] : memref<8192x1024xf32, #tpu.memory_space<hbm>> -> memref<32x1024xf32, #tpu.memory_space<hbm>>
      tpu.enqueue_dma source(%arg8 : memref<32x1024xf32, #tpu.memory_space<vmem>>) target(%dma_start3A_196 : memref<32x1024xf32, #tpu.memory_space<hbm>>) target_semaphore(%run_scoped3A : memref<!tpu.dma_semaphore, #tpu.memory_space<semaphore_mem>>)
      %dma_wait3A_197 = arith.constant 0 : i32
      %dma_wait3A_198 = tpu.memref_slice %arg5[%add3A_137, %dma_wait3A_197] : memref<8192x1024xf32, #tpu.memory_space<hbm>> -> memref<32x1024xf32, #tpu.memory_space<hbm>>
      %dma_wait3A_199 = arith.constant 0 : i32
      %dma_wait3A_200 = tpu.memref_slice %arg5[%add3A_137, %dma_wait3A_199] : memref<8192x1024xf32, #tpu.memory_space<hbm>> -> memref<32x1024xf32, #tpu.memory_space<hbm>>
      tpu.wait_dma2 semaphore(%run_scoped3A : memref<!tpu.dma_semaphore, #tpu.memory_space<semaphore_mem>>) src(%arg8 : memref<32x1024xf32, #tpu.memory_space<vmem>>) dst(%dma_wait3A_200 : memref<32x1024xf32, #tpu.memory_space<hbm>>)
      tpu.yield
    }) : () -> ()
    %dma_wait3A_138 = arith.constant 160 : i32
    %dma_wait3A_139 = tpu.memref_slice %arg7[%dma_wait3A_138] : memref<256xi32, #tpu.memory_space<vmem>> -> memref<32xi32, #tpu.memory_space<vmem>>
    %dma_wait3A_140 = arith.constant 0 : i32
    %dma_wait3A_141 = arith.constant 0 : i32
    %dma_wait3A_142 = tpu.memref_slice %arg3[%dma_wait3A_140, %dma_wait3A_141] : memref<16384x1024xf32, #tpu.memory_space<hbm>> -> memref<16384x1024xf32, #tpu.memory_space<hbm>>
    tpu.wait_indirect_dma semaphore(%arg11 : memref<!tpu.dma_semaphore, #tpu.memory_space<semaphore_mem>>) src(%dma_wait3A_142 : memref<16384x1024xf32, #tpu.memory_space<hbm>>) dst(%arg9 : memref<32x1024xf32, #tpu.memory_space<vmem>>)
    %add3A_143 = arith.constant 160 : i32
    %add3A_144 = arith.addi %mul3A_2, %add3A_143 : i32
    "tpu.region"() ({
      %run_scoped3A = tpu.sem_alloc : memref<!tpu.dma_semaphore, #tpu.memory_space<semaphore_mem>>
      %dma_start3A_193 = arith.constant 0 : i32
      %dma_start3A_194 = tpu.memref_slice %arg6[%add3A_144, %dma_start3A_193] : memref<8192x1024xf32, #tpu.memory_space<hbm>> -> memref<32x1024xf32, #tpu.memory_space<hbm>>
      %dma_start3A_195 = arith.constant 0 : i32
      %dma_start3A_196 = tpu.memref_slice %arg6[%add3A_144, %dma_start3A_195] : memref<8192x1024xf32, #tpu.memory_space<hbm>> -> memref<32x1024xf32, #tpu.memory_space<hbm>>
      tpu.enqueue_dma source(%arg9 : memref<32x1024xf32, #tpu.memory_space<vmem>>) target(%dma_start3A_196 : memref<32x1024xf32, #tpu.memory_space<hbm>>) target_semaphore(%run_scoped3A : memref<!tpu.dma_semaphore, #tpu.memory_space<semaphore_mem>>)
      %dma_wait3A_197 = arith.constant 0 : i32
      %dma_wait3A_198 = tpu.memref_slice %arg6[%add3A_144, %dma_wait3A_197] : memref<8192x1024xf32, #tpu.memory_space<hbm>> -> memref<32x1024xf32, #tpu.memory_space<hbm>>
      %dma_wait3A_199 = arith.constant 0 : i32
      %dma_wait3A_200 = tpu.memref_slice %arg6[%add3A_144, %dma_wait3A_199] : memref<8192x1024xf32, #tpu.memory_space<hbm>> -> memref<32x1024xf32, #tpu.memory_space<hbm>>
      tpu.wait_dma2 semaphore(%run_scoped3A : memref<!tpu.dma_semaphore, #tpu.memory_space<semaphore_mem>>) src(%arg9 : memref<32x1024xf32, #tpu.memory_space<vmem>>) dst(%dma_wait3A_200 : memref<32x1024xf32, #tpu.memory_space<hbm>>)
      tpu.yield
    }) : () -> ()
    %dma_start3A_145 = arith.constant 192 : i32
    %dma_start3A_146 = tpu.memref_slice %arg7[%dma_start3A_145] : memref<256xi32, #tpu.memory_space<vmem>> -> memref<32xi32, #tpu.memory_space<vmem>>
    %dma_start3A_147 = arith.constant 0 : i32
    %dma_start3A_148 = arith.constant 0 : i32
    %dma_start3A_149 = tpu.memref_slice %arg2[%dma_start3A_147, %dma_start3A_148] : memref<16384x1024xf32, #tpu.memory_space<hbm>> -> memref<16384x1024xf32, #tpu.memory_space<hbm>>
    tpu.enqueue_indirect_dma source(%dma_start3A_149 : memref<16384x1024xf32, #tpu.memory_space<hbm>>) target(%arg8 : memref<32x1024xf32, #tpu.memory_space<vmem>>) offsets(%dma_start3A_146 : memref<32xi32, #tpu.memory_space<vmem>>) semaphore(%arg10 : memref<!tpu.dma_semaphore, #tpu.memory_space<semaphore_mem>>)
    %dma_start3A_150 = arith.constant 192 : i32
    %dma_start3A_151 = tpu.memref_slice %arg7[%dma_start3A_150] : memref<256xi32, #tpu.memory_space<vmem>> -> memref<32xi32, #tpu.memory_space<vmem>>
    %dma_start3A_152 = arith.constant 0 : i32
    %dma_start3A_153 = arith.constant 0 : i32
    %dma_start3A_154 = tpu.memref_slice %arg3[%dma_start3A_152, %dma_start3A_153] : memref<16384x1024xf32, #tpu.memory_space<hbm>> -> memref<16384x1024xf32, #tpu.memory_space<hbm>>
    tpu.enqueue_indirect_dma source(%dma_start3A_154 : memref<16384x1024xf32, #tpu.memory_space<hbm>>) target(%arg9 : memref<32x1024xf32, #tpu.memory_space<vmem>>) offsets(%dma_start3A_151 : memref<32xi32, #tpu.memory_space<vmem>>) semaphore(%arg11 : memref<!tpu.dma_semaphore, #tpu.memory_space<semaphore_mem>>)
    %dma_wait3A_155 = arith.constant 192 : i32
    %dma_wait3A_156 = tpu.memref_slice %arg7[%dma_wait3A_155] : memref<256xi32, #tpu.memory_space<vmem>> -> memref<32xi32, #tpu.memory_space<vmem>>
    %dma_wait3A_157 = arith.constant 0 : i32
    %dma_wait3A_158 = arith.constant 0 : i32
    %dma_wait3A_159 = tpu.memref_slice %arg2[%dma_wait3A_157, %dma_wait3A_158] : memref<16384x1024xf32, #tpu.memory_space<hbm>> -> memref<16384x1024xf32, #tpu.memory_space<hbm>>
    tpu.wait_indirect_dma semaphore(%arg10 : memref<!tpu.dma_semaphore, #tpu.memory_space<semaphore_mem>>) src(%dma_wait3A_159 : memref<16384x1024xf32, #tpu.memory_space<hbm>>) dst(%arg8 : memref<32x1024xf32, #tpu.memory_space<vmem>>)
    %add3A_160 = arith.constant 192 : i32
    %add3A_161 = arith.addi %mul3A_2, %add3A_160 : i32
    "tpu.region"() ({
      %run_scoped3A = tpu.sem_alloc : memref<!tpu.dma_semaphore, #tpu.memory_space<semaphore_mem>>
      %dma_start3A_193 = arith.constant 0 : i32
      %dma_start3A_194 = tpu.memref_slice %arg5[%add3A_161, %dma_start3A_193] : memref<8192x1024xf32, #tpu.memory_space<hbm>> -> memref<32x1024xf32, #tpu.memory_space<hbm>>
      %dma_start3A_195 = arith.constant 0 : i32
      %dma_start3A_196 = tpu.memref_slice %arg5[%add3A_161, %dma_start3A_195] : memref<8192x1024xf32, #tpu.memory_space<hbm>> -> memref<32x1024xf32, #tpu.memory_space<hbm>>
      tpu.enqueue_dma source(%arg8 : memref<32x1024xf32, #tpu.memory_space<vmem>>) target(%dma_start3A_196 : memref<32x1024xf32, #tpu.memory_space<hbm>>) target_semaphore(%run_scoped3A : memref<!tpu.dma_semaphore, #tpu.memory_space<semaphore_mem>>)
      %dma_wait3A_197 = arith.constant 0 : i32
      %dma_wait3A_198 = tpu.memref_slice %arg5[%add3A_161, %dma_wait3A_197] : memref<8192x1024xf32, #tpu.memory_space<hbm>> -> memref<32x1024xf32, #tpu.memory_space<hbm>>
      %dma_wait3A_199 = arith.constant 0 : i32
      %dma_wait3A_200 = tpu.memref_slice %arg5[%add3A_161, %dma_wait3A_199] : memref<8192x1024xf32, #tpu.memory_space<hbm>> -> memref<32x1024xf32, #tpu.memory_space<hbm>>
      tpu.wait_dma2 semaphore(%run_scoped3A : memref<!tpu.dma_semaphore, #tpu.memory_space<semaphore_mem>>) src(%arg8 : memref<32x1024xf32, #tpu.memory_space<vmem>>) dst(%dma_wait3A_200 : memref<32x1024xf32, #tpu.memory_space<hbm>>)
      tpu.yield
    }) : () -> ()
    %dma_wait3A_162 = arith.constant 192 : i32
    %dma_wait3A_163 = tpu.memref_slice %arg7[%dma_wait3A_162] : memref<256xi32, #tpu.memory_space<vmem>> -> memref<32xi32, #tpu.memory_space<vmem>>
    %dma_wait3A_164 = arith.constant 0 : i32
    %dma_wait3A_165 = arith.constant 0 : i32
    %dma_wait3A_166 = tpu.memref_slice %arg3[%dma_wait3A_164, %dma_wait3A_165] : memref<16384x1024xf32, #tpu.memory_space<hbm>> -> memref<16384x1024xf32, #tpu.memory_space<hbm>>
    tpu.wait_indirect_dma semaphore(%arg11 : memref<!tpu.dma_semaphore, #tpu.memory_space<semaphore_mem>>) src(%dma_wait3A_166 : memref<16384x1024xf32, #tpu.memory_space<hbm>>) dst(%arg9 : memref<32x1024xf32, #tpu.memory_space<vmem>>)
    %add3A_167 = arith.constant 192 : i32
    %add3A_168 = arith.addi %mul3A_2, %add3A_167 : i32
    "tpu.region"() ({
      %run_scoped3A = tpu.sem_alloc : memref<!tpu.dma_semaphore, #tpu.memory_space<semaphore_mem>>
      %dma_start3A_193 = arith.constant 0 : i32
      %dma_start3A_194 = tpu.memref_slice %arg6[%add3A_168, %dma_start3A_193] : memref<8192x1024xf32, #tpu.memory_space<hbm>> -> memref<32x1024xf32, #tpu.memory_space<hbm>>
      %dma_start3A_195 = arith.constant 0 : i32
      %dma_start3A_196 = tpu.memref_slice %arg6[%add3A_168, %dma_start3A_195] : memref<8192x1024xf32, #tpu.memory_space<hbm>> -> memref<32x1024xf32, #tpu.memory_space<hbm>>
      tpu.enqueue_dma source(%arg9 : memref<32x1024xf32, #tpu.memory_space<vmem>>) target(%dma_start3A_196 : memref<32x1024xf32, #tpu.memory_space<hbm>>) target_semaphore(%run_scoped3A : memref<!tpu.dma_semaphore, #tpu.memory_space<semaphore_mem>>)
      %dma_wait3A_197 = arith.constant 0 : i32
      %dma_wait3A_198 = tpu.memref_slice %arg6[%add3A_168, %dma_wait3A_197] : memref<8192x1024xf32, #tpu.memory_space<hbm>> -> memref<32x1024xf32, #tpu.memory_space<hbm>>
      %dma_wait3A_199 = arith.constant 0 : i32
      %dma_wait3A_200 = tpu.memref_slice %arg6[%add3A_168, %dma_wait3A_199] : memref<8192x1024xf32, #tpu.memory_space<hbm>> -> memref<32x1024xf32, #tpu.memory_space<hbm>>
      tpu.wait_dma2 semaphore(%run_scoped3A : memref<!tpu.dma_semaphore, #tpu.memory_space<semaphore_mem>>) src(%arg9 : memref<32x1024xf32, #tpu.memory_space<vmem>>) dst(%dma_wait3A_200 : memref<32x1024xf32, #tpu.memory_space<hbm>>)
      tpu.yield
    }) : () -> ()
    %dma_start3A_169 = arith.constant 224 : i32
    %dma_start3A_170 = tpu.memref_slice %arg7[%dma_start3A_169] : memref<256xi32, #tpu.memory_space<vmem>> -> memref<32xi32, #tpu.memory_space<vmem>>
    %dma_start3A_171 = arith.constant 0 : i32
    %dma_start3A_172 = arith.constant 0 : i32
    %dma_start3A_173 = tpu.memref_slice %arg2[%dma_start3A_171, %dma_start3A_172] : memref<16384x1024xf32, #tpu.memory_space<hbm>> -> memref<16384x1024xf32, #tpu.memory_space<hbm>>
    tpu.enqueue_indirect_dma source(%dma_start3A_173 : memref<16384x1024xf32, #tpu.memory_space<hbm>>) target(%arg8 : memref<32x1024xf32, #tpu.memory_space<vmem>>) offsets(%dma_start3A_170 : memref<32xi32, #tpu.memory_space<vmem>>) semaphore(%arg10 : memref<!tpu.dma_semaphore, #tpu.memory_space<semaphore_mem>>)
    %dma_start3A_174 = arith.constant 224 : i32
    %dma_start3A_175 = tpu.memref_slice %arg7[%dma_start3A_174] : memref<256xi32, #tpu.memory_space<vmem>> -> memref<32xi32, #tpu.memory_space<vmem>>
    %dma_start3A_176 = arith.constant 0 : i32
    %dma_start3A_177 = arith.constant 0 : i32
    %dma_start3A_178 = tpu.memref_slice %arg3[%dma_start3A_176, %dma_start3A_177] : memref<16384x1024xf32, #tpu.memory_space<hbm>> -> memref<16384x1024xf32, #tpu.memory_space<hbm>>
    tpu.enqueue_indirect_dma source(%dma_start3A_178 : memref<16384x1024xf32, #tpu.memory_space<hbm>>) target(%arg9 : memref<32x1024xf32, #tpu.memory_space<vmem>>) offsets(%dma_start3A_175 : memref<32xi32, #tpu.memory_space<vmem>>) semaphore(%arg11 : memref<!tpu.dma_semaphore, #tpu.memory_space<semaphore_mem>>)
    %dma_wait3A_179 = arith.constant 224 : i32
    %dma_wait3A_180 = tpu.memref_slice %arg7[%dma_wait3A_179] : memref<256xi32, #tpu.memory_space<vmem>> -> memref<32xi32, #tpu.memory_space<vmem>>
    %dma_wait3A_181 = arith.constant 0 : i32
    %dma_wait3A_182 = arith.constant 0 : i32
    %dma_wait3A_183 = tpu.memref_slice %arg2[%dma_wait3A_181, %dma_wait3A_182] : memref<16384x1024xf32, #tpu.memory_space<hbm>> -> memref<16384x1024xf32, #tpu.memory_space<hbm>>
    tpu.wait_indirect_dma semaphore(%arg10 : memref<!tpu.dma_semaphore, #tpu.memory_space<semaphore_mem>>) src(%dma_wait3A_183 : memref<16384x1024xf32, #tpu.memory_space<hbm>>) dst(%arg8 : memref<32x1024xf32, #tpu.memory_space<vmem>>)
    %add3A_184 = arith.constant 224 : i32
    %add3A_185 = arith.addi %mul3A_2, %add3A_184 : i32
    "tpu.region"() ({
      %run_scoped3A = tpu.sem_alloc : memref<!tpu.dma_semaphore, #tpu.memory_space<semaphore_mem>>
      %dma_start3A_193 = arith.constant 0 : i32
      %dma_start3A_194 = tpu.memref_slice %arg5[%add3A_185, %dma_start3A_193] : memref<8192x1024xf32, #tpu.memory_space<hbm>> -> memref<32x1024xf32, #tpu.memory_space<hbm>>
      %dma_start3A_195 = arith.constant 0 : i32
      %dma_start3A_196 = tpu.memref_slice %arg5[%add3A_185, %dma_start3A_195] : memref<8192x1024xf32, #tpu.memory_space<hbm>> -> memref<32x1024xf32, #tpu.memory_space<hbm>>
      tpu.enqueue_dma source(%arg8 : memref<32x1024xf32, #tpu.memory_space<vmem>>) target(%dma_start3A_196 : memref<32x1024xf32, #tpu.memory_space<hbm>>) target_semaphore(%run_scoped3A : memref<!tpu.dma_semaphore, #tpu.memory_space<semaphore_mem>>)
      %dma_wait3A_197 = arith.constant 0 : i32
      %dma_wait3A_198 = tpu.memref_slice %arg5[%add3A_185, %dma_wait3A_197] : memref<8192x1024xf32, #tpu.memory_space<hbm>> -> memref<32x1024xf32, #tpu.memory_space<hbm>>
      %dma_wait3A_199 = arith.constant 0 : i32
      %dma_wait3A_200 = tpu.memref_slice %arg5[%add3A_185, %dma_wait3A_199] : memref<8192x1024xf32, #tpu.memory_space<hbm>> -> memref<32x1024xf32, #tpu.memory_space<hbm>>
      tpu.wait_dma2 semaphore(%run_scoped3A : memref<!tpu.dma_semaphore, #tpu.memory_space<semaphore_mem>>) src(%arg8 : memref<32x1024xf32, #tpu.memory_space<vmem>>) dst(%dma_wait3A_200 : memref<32x1024xf32, #tpu.memory_space<hbm>>)
      tpu.yield
    }) : () -> ()
    %dma_wait3A_186 = arith.constant 224 : i32
    %dma_wait3A_187 = tpu.memref_slice %arg7[%dma_wait3A_186] : memref<256xi32, #tpu.memory_space<vmem>> -> memref<32xi32, #tpu.memory_space<vmem>>
    %dma_wait3A_188 = arith.constant 0 : i32
    %dma_wait3A_189 = arith.constant 0 : i32
    %dma_wait3A_190 = tpu.memref_slice %arg3[%dma_wait3A_188, %dma_wait3A_189] : memref<16384x1024xf32, #tpu.memory_space<hbm>> -> memref<16384x1024xf32, #tpu.memory_space<hbm>>
    tpu.wait_indirect_dma semaphore(%arg11 : memref<!tpu.dma_semaphore, #tpu.memory_space<semaphore_mem>>) src(%dma_wait3A_190 : memref<16384x1024xf32, #tpu.memory_space<hbm>>) dst(%arg9 : memref<32x1024xf32, #tpu.memory_space<vmem>>)
    %add3A_191 = arith.constant 224 : i32
    %add3A_192 = arith.addi %mul3A_2, %add3A_191 : i32
    "tpu.region"() ({
      %run_scoped3A = tpu.sem_alloc : memref<!tpu.dma_semaphore, #tpu.memory_space<semaphore_mem>>
      %dma_start3A_193 = arith.constant 0 : i32
      %dma_start3A_194 = tpu.memref_slice %arg6[%add3A_192, %dma_start3A_193] : memref<8192x1024xf32, #tpu.memory_space<hbm>> -> memref<32x1024xf32, #tpu.memory_space<hbm>>
      %dma_start3A_195 = arith.constant 0 : i32
      %dma_start3A_196 = tpu.memref_slice %arg6[%add3A_192, %dma_start3A_195] : memref<8192x1024xf32, #tpu.memory_space<hbm>> -> memref<32x1024xf32, #tpu.memory_space<hbm>>
      tpu.enqueue_dma source(%arg9 : memref<32x1024xf32, #tpu.memory_space<vmem>>) target(%dma_start3A_196 : memref<32x1024xf32, #tpu.memory_space<hbm>>) target_semaphore(%run_scoped3A : memref<!tpu.dma_semaphore, #tpu.memory_space<semaphore_mem>>)
      %dma_wait3A_197 = arith.constant 0 : i32
      %dma_wait3A_198 = tpu.memref_slice %arg6[%add3A_192, %dma_wait3A_197] : memref<8192x1024xf32, #tpu.memory_space<hbm>> -> memref<32x1024xf32, #tpu.memory_space<hbm>>
      %dma_wait3A_199 = arith.constant 0 : i32
      %dma_wait3A_200 = tpu.memref_slice %arg6[%add3A_192, %dma_wait3A_199] : memref<8192x1024xf32, #tpu.memory_space<hbm>> -> memref<32x1024xf32, #tpu.memory_space<hbm>>
      tpu.wait_dma2 semaphore(%run_scoped3A : memref<!tpu.dma_semaphore, #tpu.memory_space<semaphore_mem>>) src(%arg9 : memref<32x1024xf32, #tpu.memory_space<vmem>>) dst(%dma_wait3A_200 : memref<32x1024xf32, #tpu.memory_space<hbm>>)
      tpu.yield
    }) : () -> ()
    return
  }
}

module attributes {stable_mosaic.version = 14 : i64} {
  func.func @_qprobe_body(%arg0: i32, %arg1: memref<1x2048x1024xf32, #tpu.memory_space<vmem>>, %arg2: memref<1x1x1024xf32, #tpu.memory_space<vmem>>) attributes {dimension_semantics = [#tpu.dimension_semantics<arbitrary>], iteration_bounds = array<i64: 8>, scalar_prefetch = 0 : i64, scratch_operands = 0 : i64, tpu.core_type = #tpu.core_type<tc>, window_params = [{transform_indices = @transform_0, window_bounds = array<i64: 1, 2048, 1024>}, {transform_indices = @transform_1, window_bounds = array<i64: 1, 1, 1024>}]} {
    %get3A = arith.constant 0 : index
    %get3A_0 = arith.constant 0 : index
    %get3A_1 = arith.constant 0 : index
    %get3A_2 = vector.load %arg1[%get3A, %get3A_0, %get3A_1] : memref<1x2048x1024xf32, #tpu.memory_space<vmem>>, vector<1x2048x1024xf32>
    %reduce_sum3A = arith.constant dense<0.000000e+00> : vector<1x1024xf32>
    %reduce_sum3A_3 = vector.multi_reduction <add>, %get3A_2, %reduce_sum3A [1] : vector<1x2048x1024xf32> to vector<1x1024xf32>
    %broadcast_in_dim3A = vector.shape_cast %reduce_sum3A_3 : vector<1x1024xf32> to vector<1x1x1024xf32>
    %div3A = arith.constant 2.048000e+03 : f32
    %div3A_4 = vector.broadcast %div3A : f32 to vector<1x1x1024xf32>
    %div3A_5 = arith.divf %broadcast_in_dim3A, %div3A_4 : vector<1x1x1024xf32>
    %swap3A = arith.constant 0 : index
    %swap3A_6 = arith.constant 0 : index
    %swap3A_7 = arith.constant 0 : index
    %swap3A_8 = vector.load %arg2[%swap3A, %swap3A_6, %swap3A_7] : memref<1x1x1024xf32, #tpu.memory_space<vmem>>, vector<1x1x1024xf32>
    tpu.vector_store %arg2[%swap3A, %swap3A_6, %swap3A_7], %div3A_5 {strides = array<i32>} : memref<1x1x1024xf32, #tpu.memory_space<vmem>>, vector<1x1x1024xf32>,
    return
  }
  func.func @transform_0(%arg0: i32) -> (i32, i32, i32) {
    %c0_i32 = arith.constant 0 : i32
    %c0_i32_0 = arith.constant 0 : i32
    %c0_i32_1 = arith.constant 0 : i32
    return %arg0, %c0_i32, %c0_i32_0 : i32, i32, i32
  }
  func.func @transform_1(%arg0: i32) -> (i32, i32, i32) {
    %c0_i32 = arith.constant 0 : i32
    %c0_i32_0 = arith.constant 0 : i32
    %c0_i32_1 = arith.constant 0 : i32
    return %arg0, %c0_i32, %c0_i32_0 : i32, i32, i32
  }
}

module attributes {stable_mosaic.version = 14 : i64} {
  func.func @_merge_body(%arg0: i32, %arg1: i32, %arg2: memref<1x1x1xf32, #tpu.memory_space<vmem>>, %arg3: memref<1x1x1xf32, #tpu.memory_space<vmem>>, %arg4: memref<1x1x1xf32, #tpu.memory_space<vmem>>, %arg5: memref<1x1x1024xi32, #tpu.memory_space<vmem>>, %arg6: memref<1024x2xf32, #tpu.memory_space<vmem>>, %arg7: memref<1x1024xf32, #tpu.memory_space<vmem>>, %arg8: memref<1024x2xf32, #tpu.memory_space<vmem>>, %arg9: memref<1x1024xf32, #tpu.memory_space<vmem>>, %arg10: memref<1x1xf32, #tpu.memory_space<vmem>>, %arg11: memref<1x1xf32, #tpu.memory_space<vmem>>, %arg12: memref<1x256x1024xf32, #tpu.memory_space<vmem>>, %arg13: memref<1x256x1024xf32, #tpu.memory_space<vmem>>, %arg14: memref<1x256x1024xf32, #tpu.memory_space<vmem>>, %arg15: memref<1x256x1024xf32, #tpu.memory_space<vmem>>, %arg16: memref<1x1x1xf32, #tpu.memory_space<vmem>>, %arg17: memref<1x256x1024xf32, #tpu.memory_space<vmem>>, %arg18: memref<1x256x1024xf32, #tpu.memory_space<vmem>>) attributes {dimension_semantics = [#tpu.dimension_semantics<parallel>, #tpu.dimension_semantics<arbitrary>], iteration_bounds = array<i64: 8, 8>, scalar_prefetch = 0 : i64, scratch_operands = 0 : i64, tpu.core_type = #tpu.core_type<tc>, window_params = [{transform_indices = @transform_0, window_bounds = array<i64: 1, 1, 1>}, {transform_indices = @transform_1, window_bounds = array<i64: 1, 1, 1>}, {transform_indices = @transform_2, window_bounds = array<i64: 1, 1, 1>}, {transform_indices = @transform_3, window_bounds = array<i64: 1, 1, 1024>}, {pipeline_mode = #tpu.pipeline_mode<synchronous>, transform_indices = @transform_4, window_bounds = array<i64: 1024, 2>}, {pipeline_mode = #tpu.pipeline_mode<synchronous>, transform_indices = @transform_5, window_bounds = array<i64: 1, 1024>}, {pipeline_mode = #tpu.pipeline_mode<synchronous>, transform_indices = @transform_6, window_bounds = array<i64: 1024, 2>}, {pipeline_mode = #tpu.pipeline_mode<synchronous>, transform_indices = @transform_7, window_bounds = array<i64: 1, 1024>}, {pipeline_mode = #tpu.pipeline_mode<synchronous>, transform_indices = @transform_8, window_bounds = array<i64: 1, 1>}, {pipeline_mode = #tpu.pipeline_mode<synchronous>, transform_indices = @transform_9, window_bounds = array<i64: 1, 1>}, {transform_indices = @transform_10, window_bounds = array<i64: 1, 256, 1024>}, {transform_indices = @transform_11, window_bounds = array<i64: 1, 256, 1024>}, {transform_indices = @transform_12, window_bounds = array<i64: 1, 256, 1024>}, {transform_indices = @transform_13, window_bounds = array<i64: 1, 256, 1024>}, {transform_indices = @transform_14, window_bounds = array<i64: 1, 1, 1>}, {transform_indices = @transform_15, window_bounds = array<i64: 1, 256, 1024>}, {transform_indices = @transform_16, window_bounds = array<i64: 1, 256, 1024>}]} {
    %get3A = arith.constant 0 : index
    %get3A_0 = arith.constant 0 : index
    %get3A_1 = arith.constant 0 : index
    %get3A_2 = vector.load %arg2[%get3A, %get3A_0, %get3A_1] : memref<1x1x1xf32, #tpu.memory_space<vmem>>, vector<1x1x1xf32>
    %get3A_3 = arith.constant 0 : index
    %get3A_4 = arith.constant 0 : index
    %get3A_5 = arith.constant 0 : index
    %get3A_6 = vector.load %arg3[%get3A_3, %get3A_4, %get3A_5] : memref<1x1x1xf32, #tpu.memory_space<vmem>>, vector<1x1x1xf32>
    %get3A_7 = arith.constant 0 : index
    %get3A_8 = arith.constant 0 : index
    %get3A_9 = vector.load %arg11[%get3A_7, %get3A_8] : memref<1x1xf32, #tpu.memory_space<vmem>>, vector<1x1xf32>
    %get3A_10 = vector.extract %get3A_9[0, 0] : f32 from vector<1x1xf32>
    %logistic3A = arith.negf %get3A_10 : f32
    %logistic3A_11 = math.exp %logistic3A : f32
    %logistic3A_12 = arith.constant 1.000000e+00 : f32
    %logistic3A_13 = arith.addf %logistic3A_12, %logistic3A_11 : f32
    %logistic3A_14 = arith.divf %logistic3A_12, %logistic3A_13 : f32
    %mul3A = vector.broadcast %logistic3A_14 : f32 to vector<1x1x1xf32>
    %mul3A_15 = arith.mulf %mul3A, %get3A_2 : vector<1x1x1xf32>
    %sub3A = arith.constant 1.000000e+00 : f32
    %sub3A_16 = arith.subf %sub3A, %logistic3A_14 : f32
    %mul3A_17 = vector.broadcast %sub3A_16 : f32 to vector<1x1x1xf32>
    %mul3A_18 = arith.mulf %mul3A_17, %get3A_6 : vector<1x1x1xf32>
    %add3A = arith.addf %mul3A_15, %mul3A_18 : vector<1x1x1xf32>
    %get3A_19 = arith.constant 0 : index
    %get3A_20 = arith.constant 0 : index
    %get3A_21 = vector.load %arg10[%get3A_19, %get3A_20] : memref<1x1xf32, #tpu.memory_space<vmem>>, vector<1x1xf32>
    %get3A_22 = vector.extract %get3A_21[0, 0] : f32 from vector<1x1xf32>
    %logistic3A_23 = arith.negf %get3A_22 : f32
    %logistic3A_24 = math.exp %logistic3A_23 : f32
    %logistic3A_25 = arith.constant 1.000000e+00 : f32
    %logistic3A_26 = arith.addf %logistic3A_25, %logistic3A_24 : f32
    %logistic3A_27 = arith.divf %logistic3A_25, %logistic3A_26 : f32
    %get3A_28 = arith.constant 0 : index
    %get3A_29 = arith.constant 0 : index
    %get3A_30 = arith.constant 0 : index
    %get3A_31 = vector.load %arg4[%get3A_28, %get3A_29, %get3A_30] : memref<1x1x1xf32, #tpu.memory_space<vmem>>, vector<1x1x1xf32>
    %mul3A_32 = vector.broadcast %logistic3A_27 : f32 to vector<1x1x1xf32>
    %mul3A_33 = arith.mulf %mul3A_32, %get3A_31 : vector<1x1x1xf32>
    %sub3A_34 = arith.constant 1.000000e+00 : f32
    %sub3A_35 = arith.subf %sub3A_34, %logistic3A_27 : f32
    %mul3A_36 = vector.broadcast %sub3A_35 : f32 to vector<1x1x1xf32>
    %mul3A_37 = arith.mulf %mul3A_36, %add3A : vector<1x1x1xf32>
    %add3A_38 = arith.addf %mul3A_33, %mul3A_37 : vector<1x1x1xf32>
    %eq3A = arith.constant 0 : i32
    %eq3A_39 = arith.cmpi eq, %arg1, %eq3A : i32
    %convert_element_type3A = arith.extui %eq3A_39 : i1 to i32
    %cond3A = arith.constant 0 : i32
    %cond3A_40 = arith.cmpi ne, %convert_element_type3A, %cond3A : i32
    scf.if %cond3A_40 {
      %swap3A_170 = arith.constant 0 : index
      %swap3A_171 = arith.constant 0 : index
      %swap3A_172 = arith.constant 0 : index
      %swap3A_173 = vector.load %arg16[%swap3A_170, %swap3A_171, %swap3A_172] : memref<1x1x1xf32, #tpu.memory_space<vmem>>, vector<1x1x1xf32>
      tpu.vector_store %arg16[%swap3A_170, %swap3A_171, %swap3A_172], %add3A_38 {strides = array<i32>} : memref<1x1x1xf32, #tpu.memory_space<vmem>>, vector<1x1x1xf32>,
    } else {
    }
    %get3A_41 = arith.constant 0 : index
    %get3A_42 = arith.constant 0 : index
    %get3A_43 = arith.constant 0 : index
    %get3A_44 = vector.load %arg5[%get3A_41, %get3A_42, %get3A_43] : memref<1x1x1024xi32, #tpu.memory_space<vmem>>, vector<1x1x1024xi32>
    %get3A_45 = vector.shape_cast %get3A_44 : vector<1x1x1024xi32> to vector<1x1024xi32>
    %mul3A_46 = arith.constant 256 : i32
    %mul3A_47 = arith.muli %arg1, %mul3A_46 : i32
    %iota3A = tpu.iota {dimensions = array<i32: 0>} : vector<256x1xi32>
    %add3A_48 = vector.broadcast %mul3A_47 : i32 to vector<256x1xi32>
    %add3A_49 = arith.addi %add3A_48, %iota3A : vector<256x1xi32>
    %eq3A_50 = vector.broadcast %get3A_45 : vector<1x1024xi32> to vector<256x1024xi32>
    %eq3A_51 = vector.broadcast %add3A_49 : vector<256x1xi32> to vector<256x1024xi32>
    %eq3A_52 = arith.cmpi eq, %eq3A_50, %eq3A_51 : vector<256x1024xi32>
    %iota3A_53 = tpu.iota {dimensions = array<i32: 1>} : vector<256x1024xi32>
    %jit3A = arith.constant -1 : i32
    %broadcast_in_dim3A = vector.broadcast %jit3A : i32 to vector<256x1024xi32>
    %select_n3A = arith.select %eq3A_52, %iota3A_53, %broadcast_in_dim3A : vector<256x1024xi1>, vector<256x1024xi32>
    %reduce_max3A = arith.constant dense<-2147483648> : vector<256xi32>
    %reduce_max3A_54 = vector.multi_reduction <maxsi>, %select_n3A, %reduce_max3A [1] : vector<256x1024xi32> to vector<256xi32>
    %broadcast_in_dim3A_55 = vector.shape_cast %reduce_max3A_54 : vector<256xi32> to vector<256x1xi32>
    %eq3A_56 = vector.broadcast %broadcast_in_dim3A_55 : vector<256x1xi32> to vector<256x1024xi32>
    %eq3A_57 = arith.cmpi eq, %iota3A_53, %eq3A_56 : vector<256x1024xi32>
    %and3A = arith.andi %eq3A_52, %eq3A_57 : vector<256x1024xi1>
    %ge3A = arith.constant 0 : i32
    %ge3A_58 = vector.broadcast %ge3A : i32 to vector<256x1xi32>
    %ge3A_59 = arith.cmpi sge, %broadcast_in_dim3A_55, %ge3A_58 : vector<256x1xi32>
    %squeeze3A = vector.shape_cast %get3A_2 : vector<1x1x1xf32> to vector<1x1xf32>
    %get3A_60 = arith.constant 0 : index
    %get3A_61 = arith.constant 0 : index
    %get3A_62 = vector.load %arg6[%get3A_60, %get3A_61] : memref<1024x2xf32, #tpu.memory_space<vmem>>, vector<1024x1xf32>
    %transpose3A = tpu.transpose %get3A_62, [1, 0] : vector<1024x1xf32> -> vector<1x1024xf32>
    %mul3A_63 = vector.broadcast %squeeze3A : vector<1x1xf32> to vector<1x1024xf32>
    %mul3A_64 = arith.mulf %mul3A_63, %transpose3A : vector<1x1024xf32>
    %squeeze3A_65 = vector.shape_cast %add3A_38 : vector<1x1x1xf32> to vector<1x1xf32>
    %get3A_66 = arith.constant 0 : index
    %get3A_67 = arith.constant 1 : index
    %get3A_68 = vector.load %arg6[%get3A_66, %get3A_67] : memref<1024x2xf32, #tpu.memory_space<vmem>>, vector<1024x1xf32>
    %transpose3A_69 = tpu.transpose %get3A_68, [1, 0] : vector<1024x1xf32> -> vector<1x1024xf32>
    %mul3A_70 = vector.broadcast %squeeze3A_65 : vector<1x1xf32> to vector<1x1024xf32>
    %mul3A_71 = arith.mulf %mul3A_70, %transpose3A_69 : vector<1x1024xf32>
    %add3A_72 = arith.addf %mul3A_64, %mul3A_71 : vector<1x1024xf32>
    %get3A_73 = arith.constant 0 : index
    %get3A_74 = arith.constant 0 : index
    %get3A_75 = vector.load %arg7[%get3A_73, %get3A_74] : memref<1x1024xf32, #tpu.memory_space<vmem>>, vector<1x1024xf32>
    %add3A_76 = arith.addf %add3A_72, %get3A_75 : vector<1x1024xf32>
    %logistic3A_77 = arith.negf %add3A_76 : vector<1x1024xf32>
    %logistic3A_78 = math.exp %logistic3A_77 : vector<1x1024xf32>
    %logistic3A_79 = arith.constant 1.000000e+00 : f32
    %logistic3A_80 = vector.broadcast %logistic3A_79 : f32 to vector<1x1024xf32>
    %logistic3A_81 = arith.addf %logistic3A_80, %logistic3A_78 : vector<1x1024xf32>
    %logistic3A_82 = arith.divf %logistic3A_80, %logistic3A_81 : vector<1x1024xf32>
    %jit3A_83 = arith.constant 0.000000e+00 : f32
    %broadcast_in_dim3A_84 = vector.shape_cast %logistic3A_82 : vector<1x1024xf32> to vector<1x1024xf32>
    %broadcast_in_dim3A_85 = vector.broadcast %broadcast_in_dim3A_84 : vector<1x1024xf32> to vector<256x1024xf32>
    %broadcast_in_dim3A_86 = vector.broadcast %jit3A_83 : f32 to vector<256x1024xf32>
    %select_n3A_87 = arith.select %and3A, %broadcast_in_dim3A_85, %broadcast_in_dim3A_86 : vector<256x1024xi1>, vector<256x1024xf32>
    %reduce_sum3A = arith.constant dense<0.000000e+00> : vector<256xf32>
    %reduce_sum3A_88 = vector.multi_reduction <add>, %select_n3A_87, %reduce_sum3A [1] : vector<256x1024xf32> to vector<256xf32>
    %broadcast_in_dim3A_89 = vector.shape_cast %reduce_sum3A_88 : vector<256xf32> to vector<256x1xf32>
    %jit3A_90 = arith.constant 1.000000e+00 : f32
    %broadcast_in_dim3A_91 = vector.broadcast %jit3A_90 : f32 to vector<256x1xf32>
    %select_n3A_92 = arith.select %ge3A_59, %broadcast_in_dim3A_89, %broadcast_in_dim3A_91 : vector<256x1xi1>, vector<256x1xf32>
    %broadcast_in_dim3A_93 = vector.shape_cast %select_n3A_92 : vector<256x1xf32> to vector<1x256x1xf32>
    %get3A_94 = arith.constant 0 : index
    %get3A_95 = arith.constant 0 : index
    %get3A_96 = arith.constant 0 : index
    %get3A_97 = vector.load %arg12[%get3A_94, %get3A_95, %get3A_96] : memref<1x256x1024xf32, #tpu.memory_space<vmem>>, vector<1x256x1024xf32>
    %mul3A_98 = vector.broadcast %broadcast_in_dim3A_93 : vector<1x256x1xf32> to vector<1x256x1024xf32>
    %mul3A_99 = arith.mulf %mul3A_98, %get3A_97 : vector<1x256x1024xf32>
    %sub3A_100 = arith.constant 1.000000e+00 : f32
    %sub3A_101 = vector.broadcast %sub3A_100 : f32 to vector<1x256x1xf32>
    %sub3A_102 = arith.subf %sub3A_101, %broadcast_in_dim3A_93 : vector<1x256x1xf32>
    %get3A_103 = arith.constant 0 : index
    %get3A_104 = arith.constant 0 : index
    %get3A_105 = arith.constant 0 : index
    %get3A_106 = vector.load %arg13[%get3A_103, %get3A_104, %get3A_105] : memref<1x256x1024xf32, #tpu.memory_space<vmem>>, vector<1x256x1024xf32>
    %mul3A_107 = vector.broadcast %sub3A_102 : vector<1x256x1xf32> to vector<1x256x1024xf32>
    %mul3A_108 = arith.mulf %mul3A_107, %get3A_106 : vector<1x256x1024xf32>
    %add3A_109 = arith.addf %mul3A_99, %mul3A_108 : vector<1x256x1024xf32>
    %swap3A = arith.constant 0 : index
    %swap3A_110 = arith.constant 0 : index
    %swap3A_111 = arith.constant 0 : index
    %swap3A_112 = vector.load %arg17[%swap3A, %swap3A_110, %swap3A_111] : memref<1x256x1024xf32, #tpu.memory_space<vmem>>, vector<1x256x1024xf32>
    tpu.vector_store %arg17[%swap3A, %swap3A_110, %swap3A_111], %add3A_109 {strides = array<i32>} : memref<1x256x1024xf32, #tpu.memory_space<vmem>>, vector<1x256x1024xf32>,
    %squeeze3A_113 = vector.shape_cast %get3A_6 : vector<1x1x1xf32> to vector<1x1xf32>
    %get3A_114 = arith.constant 0 : index
    %get3A_115 = arith.constant 0 : index
    %get3A_116 = vector.load %arg8[%get3A_114, %get3A_115] : memref<1024x2xf32, #tpu.memory_space<vmem>>, vector<1024x1xf32>
    %transpose3A_117 = tpu.transpose %get3A_116, [1, 0] : vector<1024x1xf32> -> vector<1x1024xf32>
    %mul3A_118 = vector.broadcast %squeeze3A_113 : vector<1x1xf32> to vector<1x1024xf32>
    %mul3A_119 = arith.mulf %mul3A_118, %transpose3A_117 : vector<1x1024xf32>
    %squeeze3A_120 = vector.shape_cast %add3A_38 : vector<1x1x1xf32> to vector<1x1xf32>
    %get3A_121 = arith.constant 0 : index
    %get3A_122 = arith.constant 1 : index
    %get3A_123 = vector.load %arg8[%get3A_121, %get3A_122] : memref<1024x2xf32, #tpu.memory_space<vmem>>, vector<1024x1xf32>
    %transpose3A_124 = tpu.transpose %get3A_123, [1, 0] : vector<1024x1xf32> -> vector<1x1024xf32>
    %mul3A_125 = vector.broadcast %squeeze3A_120 : vector<1x1xf32> to vector<1x1024xf32>
    %mul3A_126 = arith.mulf %mul3A_125, %transpose3A_124 : vector<1x1024xf32>
    %add3A_127 = arith.addf %mul3A_119, %mul3A_126 : vector<1x1024xf32>
    %get3A_128 = arith.constant 0 : index
    %get3A_129 = arith.constant 0 : index
    %get3A_130 = vector.load %arg9[%get3A_128, %get3A_129] : memref<1x1024xf32, #tpu.memory_space<vmem>>, vector<1x1024xf32>
    %add3A_131 = arith.addf %add3A_127, %get3A_130 : vector<1x1024xf32>
    %logistic3A_132 = arith.negf %add3A_131 : vector<1x1024xf32>
    %logistic3A_133 = math.exp %logistic3A_132 : vector<1x1024xf32>
    %logistic3A_134 = arith.constant 1.000000e+00 : f32
    %logistic3A_135 = vector.broadcast %logistic3A_134 : f32 to vector<1x1024xf32>
    %logistic3A_136 = arith.addf %logistic3A_135, %logistic3A_133 : vector<1x1024xf32>
    %logistic3A_137 = arith.divf %logistic3A_135, %logistic3A_136 : vector<1x1024xf32>
    %jit3A_138 = arith.constant 0.000000e+00 : f32
    %broadcast_in_dim3A_139 = vector.shape_cast %logistic3A_137 : vector<1x1024xf32> to vector<1x1024xf32>
    %broadcast_in_dim3A_140 = vector.broadcast %broadcast_in_dim3A_139 : vector<1x1024xf32> to vector<256x1024xf32>
    %broadcast_in_dim3A_141 = vector.broadcast %jit3A_138 : f32 to vector<256x1024xf32>
    %select_n3A_142 = arith.select %and3A, %broadcast_in_dim3A_140, %broadcast_in_dim3A_141 : vector<256x1024xi1>, vector<256x1024xf32>
    %reduce_sum3A_143 = arith.constant dense<0.000000e+00> : vector<256xf32>
    %reduce_sum3A_144 = vector.multi_reduction <add>, %select_n3A_142, %reduce_sum3A_143 [1] : vector<256x1024xf32> to vector<256xf32>
    %broadcast_in_dim3A_145 = vector.shape_cast %reduce_sum3A_144 : vector<256xf32> to vector<256x1xf32>
    %jit3A_146 = arith.constant 1.000000e+00 : f32
    %broadcast_in_dim3A_147 = vector.broadcast %jit3A_146 : f32 to vector<256x1xf32>
    %select_n3A_148 = arith.select %ge3A_59, %broadcast_in_dim3A_145, %broadcast_in_dim3A_147 : vector<256x1xi1>, vector<256x1xf32>
    %broadcast_in_dim3A_149 = vector.shape_cast %select_n3A_148 : vector<256x1xf32> to vector<1x256x1xf32>
    %get3A_150 = arith.constant 0 : index
    %get3A_151 = arith.constant 0 : index
    %get3A_152 = arith.constant 0 : index
    %get3A_153 = vector.load %arg14[%get3A_150, %get3A_151, %get3A_152] : memref<1x256x1024xf32, #tpu.memory_space<vmem>>, vector<1x256x1024xf32>
    %mul3A_154 = vector.broadcast %broadcast_in_dim3A_149 : vector<1x256x1xf32> to vector<1x256x1024xf32>
    %mul3A_155 = arith.mulf %mul3A_154, %get3A_153 : vector<1x256x1024xf32>
    %sub3A_156 = arith.constant 1.000000e+00 : f32
    %sub3A_157 = vector.broadcast %sub3A_156 : f32 to vector<1x256x1xf32>
    %sub3A_158 = arith.subf %sub3A_157, %broadcast_in_dim3A_149 : vector<1x256x1xf32>
    %get3A_159 = arith.constant 0 : index
    %get3A_160 = arith.constant 0 : index
    %get3A_161 = arith.constant 0 : index
    %get3A_162 = vector.load %arg15[%get3A_159, %get3A_160, %get3A_161] : memref<1x256x1024xf32, #tpu.memory_space<vmem>>, vector<1x256x1024xf32>
    %mul3A_163 = vector.broadcast %sub3A_158 : vector<1x256x1xf32> to vector<1x256x1024xf32>
    %mul3A_164 = arith.mulf %mul3A_163, %get3A_162 : vector<1x256x1024xf32>
    %add3A_165 = arith.addf %mul3A_155, %mul3A_164 : vector<1x256x1024xf32>
    %swap3A_166 = arith.constant 0 : index
    %swap3A_167 = arith.constant 0 : index
    %swap3A_168 = arith.constant 0 : index
    %swap3A_169 = vector.load %arg18[%swap3A_166, %swap3A_167, %swap3A_168] : memref<1x256x1024xf32, #tpu.memory_space<vmem>>, vector<1x256x1024xf32>
    tpu.vector_store %arg18[%swap3A_166, %swap3A_167, %swap3A_168], %add3A_165 {strides = array<i32>} : memref<1x256x1024xf32, #tpu.memory_space<vmem>>, vector<1x256x1024xf32>,
    return
  }
  func.func @transform_0(%arg0: i32, %arg1: i32) -> (i32, i32, i32) {
    %c0_i32 = arith.constant 0 : i32
    %c0_i32_0 = arith.constant 0 : i32
    %c0_i32_1 = arith.constant 0 : i32
    return %arg0, %c0_i32, %c0_i32_0 : i32, i32, i32
  }
  func.func @transform_1(%arg0: i32, %arg1: i32) -> (i32, i32, i32) {
    %c0_i32 = arith.constant 0 : i32
    %c0_i32_0 = arith.constant 0 : i32
    %c0_i32_1 = arith.constant 0 : i32
    return %arg0, %c0_i32, %c0_i32_0 : i32, i32, i32
  }
  func.func @transform_2(%arg0: i32, %arg1: i32) -> (i32, i32, i32) {
    %c0_i32 = arith.constant 0 : i32
    %c0_i32_0 = arith.constant 0 : i32
    %c0_i32_1 = arith.constant 0 : i32
    return %arg0, %c0_i32, %c0_i32_0 : i32, i32, i32
  }
  func.func @transform_3(%arg0: i32, %arg1: i32) -> (i32, i32, i32) {
    %c0_i32 = arith.constant 0 : i32
    %c0_i32_0 = arith.constant 0 : i32
    %c0_i32_1 = arith.constant 0 : i32
    return %arg0, %c0_i32, %c0_i32_0 : i32, i32, i32
  }
  func.func @transform_4(%arg0: i32, %arg1: i32) -> (i32, i32) {
    %c0_i32 = arith.constant 0 : i32
    %c0_i32_0 = arith.constant 0 : i32
    %c0_i32_1 = arith.constant 0 : i32
    return %c0_i32, %c0_i32_0 : i32, i32
  }
  func.func @transform_5(%arg0: i32, %arg1: i32) -> (i32, i32) {
    %c0_i32 = arith.constant 0 : i32
    %c0_i32_0 = arith.constant 0 : i32
    %c0_i32_1 = arith.constant 0 : i32
    return %c0_i32, %c0_i32_0 : i32, i32
  }
  func.func @transform_6(%arg0: i32, %arg1: i32) -> (i32, i32) {
    %c0_i32 = arith.constant 0 : i32
    %c0_i32_0 = arith.constant 0 : i32
    %c0_i32_1 = arith.constant 0 : i32
    return %c0_i32, %c0_i32_0 : i32, i32
  }
  func.func @transform_7(%arg0: i32, %arg1: i32) -> (i32, i32) {
    %c0_i32 = arith.constant 0 : i32
    %c0_i32_0 = arith.constant 0 : i32
    %c0_i32_1 = arith.constant 0 : i32
    return %c0_i32, %c0_i32_0 : i32, i32
  }
  func.func @transform_8(%arg0: i32, %arg1: i32) -> (i32, i32) {
    %c0_i32 = arith.constant 0 : i32
    %c0_i32_0 = arith.constant 0 : i32
    %c0_i32_1 = arith.constant 0 : i32
    return %c0_i32, %c0_i32_0 : i32, i32
  }
  func.func @transform_9(%arg0: i32, %arg1: i32) -> (i32, i32) {
    %c0_i32 = arith.constant 0 : i32
    %c0_i32_0 = arith.constant 0 : i32
    %c0_i32_1 = arith.constant 0 : i32
    return %c0_i32, %c0_i32_0 : i32, i32
  }
  func.func @transform_10(%arg0: i32, %arg1: i32) -> (i32, i32, i32) {
    %c0_i32 = arith.constant 0 : i32
    %c0_i32_0 = arith.constant 0 : i32
    return %arg0, %arg1, %c0_i32 : i32, i32, i32
  }
  func.func @transform_11(%arg0: i32, %arg1: i32) -> (i32, i32, i32) {
    %c0_i32 = arith.constant 0 : i32
    %c0_i32_0 = arith.constant 0 : i32
    return %arg0, %arg1, %c0_i32 : i32, i32, i32
  }
  func.func @transform_12(%arg0: i32, %arg1: i32) -> (i32, i32, i32) {
    %c0_i32 = arith.constant 0 : i32
    %c0_i32_0 = arith.constant 0 : i32
    return %arg0, %arg1, %c0_i32 : i32, i32, i32
  }
  func.func @transform_13(%arg0: i32, %arg1: i32) -> (i32, i32, i32) {
    %c0_i32 = arith.constant 0 : i32
    %c0_i32_0 = arith.constant 0 : i32
    return %arg0, %arg1, %c0_i32 : i32, i32, i32
  }
  func.func @transform_14(%arg0: i32, %arg1: i32) -> (i32, i32, i32) {
    %c0_i32 = arith.constant 0 : i32
    %c0_i32_0 = arith.constant 0 : i32
    %c0_i32_1 = arith.constant 0 : i32
    return %arg0, %c0_i32, %c0_i32_0 : i32, i32, i32
  }
  func.func @transform_15(%arg0: i32, %arg1: i32) -> (i32, i32, i32) {
    %c0_i32 = arith.constant 0 : i32
    %c0_i32_0 = arith.constant 0 : i32
    return %arg0, %arg1, %c0_i32 : i32, i32, i32
  }
  func.func @transform_16(%arg0: i32, %arg1: i32) -> (i32, i32, i32) {
    %c0_i32 = arith.constant 0 : i32
    %c0_i32_0 = arith.constant 0 : i32
    return %arg0, %arg1, %c0_i32 : i32, i32, i32
  }
}

module attributes {stable_mosaic.version = 14 : i64} {
  func.func @_surprise_body(%arg0: i32, %arg1: memref<1x1x1024xf32, #tpu.memory_space<vmem>>, %arg2: memref<1x1024x1024xf32, #tpu.memory_space<vmem>>, %arg3: memref<1x1024x1024xf32, #tpu.memory_space<vmem>>, %arg4: memref<1x1x1xf32, #tpu.memory_space<vmem>>, %arg5: memref<1x1x1xf32, #tpu.memory_space<vmem>>) attributes {dimension_semantics = [#tpu.dimension_semantics<arbitrary>], iteration_bounds = array<i64: 8>, scalar_prefetch = 0 : i64, scratch_operands = 0 : i64, tpu.core_type = #tpu.core_type<tc>, window_params = [{transform_indices = @transform_0, window_bounds = array<i64: 1, 1, 1024>}, {transform_indices = @transform_1, window_bounds = array<i64: 1, 1024, 1024>}, {transform_indices = @transform_2, window_bounds = array<i64: 1, 1024, 1024>}, {transform_indices = @transform_3, window_bounds = array<i64: 1, 1, 1>}, {transform_indices = @transform_4, window_bounds = array<i64: 1, 1, 1>}]} {
    %get3A = arith.constant 0 : index
    %get3A_0 = arith.constant 0 : index
    %get3A_1 = arith.constant 0 : index
    %get3A_2 = vector.load %arg1[%get3A, %get3A_0, %get3A_1] : memref<1x1x1024xf32, #tpu.memory_space<vmem>>, vector<1x1x1024xf32>
    %get3A_3 = vector.shape_cast %get3A_2 : vector<1x1x1024xf32> to vector<1x1024xf32>
    %get3A_4 = arith.constant 0 : index
    %get3A_5 = arith.constant 0 : index
    %get3A_6 = arith.constant 0 : index
    %get3A_7 = vector.load %arg2[%get3A_4, %get3A_5, %get3A_6] : memref<1x1024x1024xf32, #tpu.memory_space<vmem>>, vector<1x1024x1024xf32>
    %get3A_8 = vector.shape_cast %get3A_7 : vector<1x1024x1024xf32> to vector<1024x1024xf32>
    %dot_general3A = arith.constant dense<0.000000e+00> : vector<1024x1xf32>
    %dot_general3A_9 = tpu.matmul %get3A_8, %get3A_3, %dot_general3A {dimension_numbers = #tpu.dot_dimension_numbers<[1], [1], [0], [0], [0, 0, 1, 0], [], []>, transpose_lhs_hint = false} : vector<1024x1024xf32>, vector<1x1024xf32>, vector<1024x1xf32> -> vector<1024x1xf32>
    %mul3A = arith.constant 3.125000e-02 : f32
    %mul3A_10 = vector.broadcast %mul3A : f32 to vector<1024x1xf32>
    %mul3A_11 = arith.mulf %dot_general3A_9, %mul3A_10 : vector<1024x1xf32>
    %reduce_max3A = vector.shape_cast %mul3A_11 : vector<1024x1xf32> to vector<1x1024x1xf32>
    %reduce_max3A_12 = arith.constant dense<0xFF800000> : vector<1xf32>
    %reduce_max3A_13 = vector.multi_reduction <maximumf>, %reduce_max3A, %reduce_max3A_12 [1, 2] : vector<1x1024x1xf32> to vector<1xf32>
    %reduce_max3A_14 = vector.shape_cast %reduce_max3A_13 : vector<1xf32> to vector<1x1x1xf32>
    %reduce_max3A_15 = vector.extract %reduce_max3A_14[0, 0, 0] : f32 from vector<1x1x1xf32>
    %sub3A = vector.broadcast %reduce_max3A_15 : f32 to vector<1024x1xf32>
    %sub3A_16 = arith.subf %mul3A_11, %sub3A : vector<1024x1xf32>
    %exp3A = math.exp %sub3A_16 : vector<1024x1xf32>
    %reduce_sum3A = vector.shape_cast %exp3A : vector<1024x1xf32> to vector<1x1024x1xf32>
    %reduce_sum3A_17 = arith.constant dense<0.000000e+00> : vector<1xf32>
    %reduce_sum3A_18 = vector.multi_reduction <add>, %reduce_sum3A, %reduce_sum3A_17 [1, 2] : vector<1x1024x1xf32> to vector<1xf32>
    %reduce_sum3A_19 = vector.shape_cast %reduce_sum3A_18 : vector<1xf32> to vector<1x1x1xf32>
    %reduce_sum3A_20 = vector.extract %reduce_sum3A_19[0, 0, 0] : f32 from vector<1x1x1xf32>
    %dot_general3A_21 = arith.constant dense<0.000000e+00> : vector<1x1024xf32>
    %dot_general3A_22 = tpu.matmul %exp3A, %get3A_8, %dot_general3A_21 {dimension_numbers = #tpu.dot_dimension_numbers<[0], [0], [1], [1], [0, 1, 1, 1], [], []>, transpose_lhs_hint = false} : vector<1024x1xf32>, vector<1024x1024xf32>, vector<1x1024xf32> -> vector<1x1024xf32>
    %div3A = vector.broadcast %reduce_sum3A_20 : f32 to vector<1x1024xf32>
    %div3A_23 = arith.divf %dot_general3A_22, %div3A : vector<1x1024xf32>
    %sub3A_24 = arith.subf %div3A_23, %get3A_3 : vector<1x1024xf32>
    %integer_pow3A = arith.mulf %sub3A_24, %sub3A_24 : vector<1x1024xf32>
    %reduce_sum3A_25 = vector.shape_cast %integer_pow3A : vector<1x1024xf32> to vector<1x1x1024xf32>
    %reduce_sum3A_26 = arith.constant dense<0.000000e+00> : vector<1xf32>
    %reduce_sum3A_27 = vector.multi_reduction <add>, %reduce_sum3A_25, %reduce_sum3A_26 [1, 2] : vector<1x1x1024xf32> to vector<1xf32>
    %reduce_sum3A_28 = vector.shape_cast %reduce_sum3A_27 : vector<1xf32> to vector<1x1x1xf32>
    %reduce_sum3A_29 = vector.extract %reduce_sum3A_28[0, 0, 0] : f32 from vector<1x1x1xf32>
    %div3A_30 = arith.constant 1.024000e+03 : f32
    %div3A_31 = arith.divf %reduce_sum3A_29, %div3A_30 : f32
    %broadcast_in_dim3A = vector.broadcast %div3A_31 : f32 to vector<1x1x1xf32>
    %swap3A = arith.constant 0 : index
    %swap3A_32 = arith.constant 0 : index
    %swap3A_33 = arith.constant 0 : index
    %swap3A_34 = vector.load %arg4[%swap3A, %swap3A_32, %swap3A_33] : memref<1x1x1xf32, #tpu.memory_space<vmem>>, vector<1x1x1xf32>
    tpu.vector_store %arg4[%swap3A, %swap3A_32, %swap3A_33], %broadcast_in_dim3A {strides = array<i32>} : memref<1x1x1xf32, #tpu.memory_space<vmem>>, vector<1x1x1xf32>,
    %get3A_35 = arith.constant 0 : index
    %get3A_36 = arith.constant 0 : index
    %get3A_37 = arith.constant 0 : index
    %get3A_38 = vector.load %arg3[%get3A_35, %get3A_36, %get3A_37] : memref<1x1024x1024xf32, #tpu.memory_space<vmem>>, vector<1x1024x1024xf32>
    %get3A_39 = vector.shape_cast %get3A_38 : vector<1x1024x1024xf32> to vector<1024x1024xf32>
    %dot_general3A_40 = arith.constant dense<0.000000e+00> : vector<1024x1xf32>
    %dot_general3A_41 = tpu.matmul %get3A_39, %get3A_3, %dot_general3A_40 {dimension_numbers = #tpu.dot_dimension_numbers<[1], [1], [0], [0], [0, 0, 1, 0], [], []>, transpose_lhs_hint = false} : vector<1024x1024xf32>, vector<1x1024xf32>, vector<1024x1xf32> -> vector<1024x1xf32>
    %mul3A_42 = arith.constant 3.125000e-02 : f32
    %mul3A_43 = vector.broadcast %mul3A_42 : f32 to vector<1024x1xf32>
    %mul3A_44 = arith.mulf %dot_general3A_41, %mul3A_43 : vector<1024x1xf32>
    %reduce_max3A_45 = vector.shape_cast %mul3A_44 : vector<1024x1xf32> to vector<1x1024x1xf32>
    %reduce_max3A_46 = arith.constant dense<0xFF800000> : vector<1xf32>
    %reduce_max3A_47 = vector.multi_reduction <maximumf>, %reduce_max3A_45, %reduce_max3A_46 [1, 2] : vector<1x1024x1xf32> to vector<1xf32>
    %reduce_max3A_48 = vector.shape_cast %reduce_max3A_47 : vector<1xf32> to vector<1x1x1xf32>
    %reduce_max3A_49 = vector.extract %reduce_max3A_48[0, 0, 0] : f32 from vector<1x1x1xf32>
    %sub3A_50 = vector.broadcast %reduce_max3A_49 : f32 to vector<1024x1xf32>
    %sub3A_51 = arith.subf %mul3A_44, %sub3A_50 : vector<1024x1xf32>
    %exp3A_52 = math.exp %sub3A_51 : vector<1024x1xf32>
    %reduce_sum3A_53 = vector.shape_cast %exp3A_52 : vector<1024x1xf32> to vector<1x1024x1xf32>
    %reduce_sum3A_54 = arith.constant dense<0.000000e+00> : vector<1xf32>
    %reduce_sum3A_55 = vector.multi_reduction <add>, %reduce_sum3A_53, %reduce_sum3A_54 [1, 2] : vector<1x1024x1xf32> to vector<1xf32>
    %reduce_sum3A_56 = vector.shape_cast %reduce_sum3A_55 : vector<1xf32> to vector<1x1x1xf32>
    %reduce_sum3A_57 = vector.extract %reduce_sum3A_56[0, 0, 0] : f32 from vector<1x1x1xf32>
    %dot_general3A_58 = arith.constant dense<0.000000e+00> : vector<1x1024xf32>
    %dot_general3A_59 = tpu.matmul %exp3A_52, %get3A_39, %dot_general3A_58 {dimension_numbers = #tpu.dot_dimension_numbers<[0], [0], [1], [1], [0, 1, 1, 1], [], []>, transpose_lhs_hint = false} : vector<1024x1xf32>, vector<1024x1024xf32>, vector<1x1024xf32> -> vector<1x1024xf32>
    %div3A_60 = vector.broadcast %reduce_sum3A_57 : f32 to vector<1x1024xf32>
    %div3A_61 = arith.divf %dot_general3A_59, %div3A_60 : vector<1x1024xf32>
    %sub3A_62 = arith.subf %div3A_61, %get3A_3 : vector<1x1024xf32>
    %integer_pow3A_63 = arith.mulf %sub3A_62, %sub3A_62 : vector<1x1024xf32>
    %reduce_sum3A_64 = vector.shape_cast %integer_pow3A_63 : vector<1x1024xf32> to vector<1x1x1024xf32>
    %reduce_sum3A_65 = arith.constant dense<0.000000e+00> : vector<1xf32>
    %reduce_sum3A_66 = vector.multi_reduction <add>, %reduce_sum3A_64, %reduce_sum3A_65 [1, 2] : vector<1x1x1024xf32> to vector<1xf32>
    %reduce_sum3A_67 = vector.shape_cast %reduce_sum3A_66 : vector<1xf32> to vector<1x1x1xf32>
    %reduce_sum3A_68 = vector.extract %reduce_sum3A_67[0, 0, 0] : f32 from vector<1x1x1xf32>
    %div3A_69 = arith.constant 1.024000e+03 : f32
    %div3A_70 = arith.divf %reduce_sum3A_68, %div3A_69 : f32
    %broadcast_in_dim3A_71 = vector.broadcast %div3A_70 : f32 to vector<1x1x1xf32>
    %swap3A_72 = arith.constant 0 : index
    %swap3A_73 = arith.constant 0 : index
    %swap3A_74 = arith.constant 0 : index
    %swap3A_75 = vector.load %arg5[%swap3A_72, %swap3A_73, %swap3A_74] : memref<1x1x1xf32, #tpu.memory_space<vmem>>, vector<1x1x1xf32>
    tpu.vector_store %arg5[%swap3A_72, %swap3A_73, %swap3A_74], %broadcast_in_dim3A_71 {strides = array<i32>} : memref<1x1x1xf32, #tpu.memory_space<vmem>>, vector<1x1x1xf32>,
    return
  }
  func.func @transform_0(%arg0: i32) -> (i32, i32, i32) {
    %c0_i32 = arith.constant 0 : i32
    %c0_i32_0 = arith.constant 0 : i32
    %c0_i32_1 = arith.constant 0 : i32
    return %arg0, %c0_i32, %c0_i32_0 : i32, i32, i32
  }
  func.func @transform_1(%arg0: i32) -> (i32, i32, i32) {
    %c0_i32 = arith.constant 0 : i32
    %c0_i32_0 = arith.constant 0 : i32
    %c0_i32_1 = arith.constant 0 : i32
    return %arg0, %c0_i32, %c0_i32_0 : i32, i32, i32
  }
  func.func @transform_2(%arg0: i32) -> (i32, i32, i32) {
    %c0_i32 = arith.constant 0 : i32
    %c0_i32_0 = arith.constant 0 : i32
    %c0_i32_1 = arith.constant 0 : i32
    return %arg0, %c0_i32, %c0_i32_0 : i32, i32, i32
  }
  func.func @transform_3(%arg0: i32) -> (i32, i32, i32) {
    %c0_i32 = arith.constant 0 : i32
    %c0_i32_0 = arith.constant 0 : i32
    %c0_i32_1 = arith.constant 0 : i32
    return %arg0, %c0_i32, %c0_i32_0 : i32, i32, i32
  }
  func.func @transform_4(%arg0: i32) -> (i32, i32, i32) {
    %c0_i32 = arith.constant 0 : i32
    %c0_i32_0 = arith.constant 0 : i32
    %c0_i32_1 = arith.constant 0 : i32
    return %arg0, %c0_i32, %c0_i32_0 : i32, i32, i32
  }
}

</mosaic_0001>

<sc_bundles>
// kernel: kernel.6.cloned.1.call-start
scs
__scs_entry_jumppad:
0x0: {  	(pc) =	sbr.rel $0x88, $3  }
0x1: {  	(tag) =	ssettag $0x0;
	lr =	simm.s32 $0x1  }
0x2: {  	[smem:$0x3F94] =	sst lr;
	_ =	strace $0xD0000000  }
0x3: {  	_ = 	snop  }
0x4: {  	_ = 	snop  }
0x5: {  	_ = 	snop  }
0x6: {  	_ = 	snop  }
0x7: {  	_ = 	snop  }
__scs_overlays_trampoline_lowered:
0x8: {  	[smem:$0x3FA3] =	sst s0  }
0x9: {  	[smem:$0x3FA4] =	sst s1  }
0xa: {  	[smem:$0x3FA5] =	sst s2  }
0xb: {  	[smem:$0x3FA6] =	sst s3  }
0xc: {  	[smem:$0x3FA7] =	sst s4  }
0xd: {  	[smem:$0x3FA8] =	sst s5  }
0xe: {  	[smem:$0x3FA9] =	sst s6  }
0xf: {  	[smem:$0x3FAA] =	sst s7  }
0x10: {  	[smem:$0x3FAB] =	sst s8  }
0x11: {  	[smem:$0x3FAC] =	sst s9;
	s0 =	simm.s32 @!p0 $0x0  }
0x12: {  	s1 =	sld [smem:$0x3F92];
	s0 =	simm.s32 @p0 $0x1  }
0x13: {  	[smem:$0x3FAD] =	sst s0;
	s0 =	simm.s32 @!p1 $0x0  }
0x14: {  	s2 =	sld [smem:$0x3F91];
	s0 =	simm.s32 @p1 $0x1  }
0x15: {  	[smem:$0x3FAE] =	sst s0;
	s0 =	simm.s32 @!p2 $0x0  }
0x16: {  	s3 =	sld [smem:$0x3FDB];
	s0 =	simm.s32 @p2 $0x1  }
0x17: {  	s4 =	simm.s32 $0x1BF5;
	[smem:$0x3FB0] =	sst s0  }
0x18: {  	s0 =	sld [smem:$0x3F93];
	_ =	swait.ge [sflag:s4], $0x0  }
0x19: {  	s7 =	sld [smem:$0x3F94]  }
0x1a: {  	s8 =	sadd.s32 $0xFFFFE003, lr  }
0x1b: {  	s9 =	sadd.s32 $0xFFFFFEF7, lr;
	s5 =	simm.s32 $0xFFFFFFFF;
	p2 =	slt.u32 s8, $0xFFFFF086  }
0x1c: {  	p1 =	slt.u32 s9, $0xF7A;
	s5 =	simm.s32 @!p2 $0x0  }
0x1d: {  	s5 =	simm.s32 @p1 $0x1;
	p0 =	seq.s32 s7, s2  }
0x1e: {  	s7 =	smul.u32 @!p0 $0xF7A, s2;
	p2 =	seq.s32 @!p0 s5, $0x0  }
0x1f: {  	s9 =	smul.u32 $0xF7A, s1;
	s8 =	simm.s32 @!p0 $0x1BF5;
	p2 =	por !p2, p0  }
0x20: {  	[sflag:s8] =	ssyncset.s32 @!p0 $0xFFFFF086;
	s6 =	sadd.s32 @!p0 s3, s7;
	s7 =	simm.s32 @!p0 $0x108  }
0x21: {  	s3 =	sadd.s32 s3, s9;
	s6 =	sadd.s32 @!p0 $0x88, s6;
	s7 =	simm.s32 @p2 $0x1082  }
0x22: {  	[simem:s7], [sflag:s8] =	dma.local @!p0 [hbm:s6], $0xF7A  }
0x23: {  	s9 =	sor.u32 $0xD0000000, s2;
	s6 =	simm.s32 $0x108;
	_ =	swait.ge @!p0 [sflag:s8], $0x0  }
0x24: {  	s3 =	sadd.s32 $0x88, s3;
	s6 =	simm.s32 @!p1 $0x1082;
	[sflag:s4] =	ssyncset.s32 $0xFFFFF086  }
0x25: {  	[simem:s6], [sflag:s4] =	dma.local [hbm:s3], $0xF7A  }
0x26: {  	[smem:$0x3F94] =	sst s1;
	(tag) =	ssettag s2;
	_ =	strace s9  }
0x27: {  	s1 =	sld [smem:$0x3FA4]  }
0x28: {  	s2 =	sld [smem:$0x3FA5]  }
0x29: {  	s4 =	sld [smem:$0x3FA7]  }
0x2a: {  	p0 =	seq.s32 s5, $0x0;
	s5 =	sld [smem:$0x3FA8]  }
0x2b: {  	s6 =	sld [smem:$0x3FA9]  }
0x2c: {  	s7 =	sld [smem:$0x3FAA]  }
0x2d: {  	s3 =	simm.s32 $0x108;
	s8 =	sld [smem:$0x3FAB]  }
0x2e: {  	s3 =	simm.s32 @!p0 $0x1082;
	s9 =	sld [smem:$0x3FAC]  }
0x2f: {  	lr =	sadd.s32 s0, s3;
	s0 =	sld [smem:$0x3FA3]  }
0x30: {  	s3 =	sld [smem:$0x3FA6]  }
0x31: {  	[smem:$0x3FAF] =	sst s10  }
0x32: {  	s10 =	sld [smem:$0x3FAD];
	_ =	sdelay $0x3  }
0x33: {  	p0 =	seq.s32 s10, $0x1;
	s10 =	sld [smem:$0x3FAF];
	_ =	sdelay $0x3  }
0x34: {  	[smem:$0x3FAF] =	sst s10  }
0x35: {  	s10 =	sld [smem:$0x3FAE];
	_ =	sdelay $0x3  }
0x36: {  	p1 =	seq.s32 s10, $0x1;
	s10 =	sld [smem:$0x3FAF];
	_ =	sdelay $0x3  }
0x37: {  	[smem:$0x3FAF] =	sst s10  }
0x38: {  	s10 =	sld [smem:$0x3FB0]  }
0x39: {  	_ = 	snop;
	(pc) =	sbr.ind lr, $3  }
0x3a: {  	_ = 	snop  }
0x3b: {  	_ = 	snop  }
0x3c: {  	p2 =	seq.s32 s10, $0x1;
	s10 =	sld [smem:$0x3FAF]  }
0x3d: {  	_ =	shalt  }
0x3e: {  	_ =	shalt  }
0x3f: {  	_ =	shalt  }
0x40: {  	_ =	shalt  }
0x41: {  	_ =	shalt  }
0x42: {  	_ =	shalt  }
0x43: {  	_ =	shalt  }
0x44: {  	_ =	shalt  }
0x45: {  	_ =	shalt  }
0x46: {  	_ =	shalt  }
0x47: {  	_ =	shalt  }
0x48: {  	_ =	shalt  }
0x49: {  	_ =	shalt  }
0x4a: {  	_ =	shalt  }
0x4b: {  	_ =	shalt  }
0x4c: {  	_ =	shalt  }
0x4d: {  	_ =	shalt  }
0x4e: {  	_ =	shalt  }
0x4f: {  	_ =	shalt  }
0x50: {  	_ =	shalt  }
0x51: {  	_ =	shalt  }
0x52: {  	_ =	shalt  }
0x53: {  	_ =	shalt  }
0x54: {  	_ =	shalt  }
0x55: {  	_ =	shalt  }
0x56: {  	_ =	shalt  }
0x57: {  	_ =	shalt  }
0x58: {  	_ =	shalt  }
0x59: {  	_ =	shalt  }
0x5a: {  	_ =	shalt  }
0x5b: {  	_ =	shalt  }
0x5c: {  	_ =	shalt  }
0x5d: {  	_ =	shalt  }
0x5e: {  	_ =	shalt  }
0x5f: {  	_ =	shalt  }
0x60: {  	_ =	shalt  }
0x61: {  	_ =	shalt  }
0x62: {  	_ =	shalt  }
0x63: {  	_ =	shalt  }
0x64: {  	_ =	shalt  }
0x65: {  	_ =	shalt  }
0x66: {  	_ =	shalt  }
0x67: {  	_ =	shalt  }
0x68: {  	_ =	shalt  }
0x69: {  	_ =	shalt  }
0x6a: {  	_ =	shalt  }
0x6b: {  	_ =	shalt  }
0x6c: {  	_ =	shalt  }
0x6d: {  	_ =	shalt  }
0x6e: {  	_ =	shalt  }
0x6f: {  	_ =	shalt  }
0x70: {  	_ =	shalt  }
0x71: {  	_ =	shalt  }
0x72: {  	_ =	shalt  }
0x73: {  	_ =	shalt  }
0x74: {  	_ =	shalt  }
0x75: {  	_ =	shalt  }
0x76: {  	_ =	shalt  }
0x77: {  	_ =	shalt  }
0x78: {  	_ =	shalt  }
0x79: {  	_ =	shalt  }
0x7a: {  	_ =	shalt  }
0x7b: {  	_ =	shalt  }
0x7c: {  	_ =	shalt  }
0x7d: {  	_ =	shalt  }
0x7e: {  	_ =	shalt  }
0x7f: {  	_ =	shalt  }
0x80: {  	_ =	shalt  }
0x81: {  	_ =	shalt  }
0x82: {  	_ =	shalt  }
0x83: {  	_ =	shalt  }
0x84: {  	_ =	shalt  }
0x85: {  	_ =	shalt  }
0x86: {  	_ =	shalt  }
0x87: {  	_ =	shalt  }
.Lfunc_end0:
.L_simem_size_0:
called_computation_lowered:
.L_overlay_start_0:
0x88: {  	s2 =	sld [smem:$0x3FD9]  }
0x89: {  	s3 =	sld [smem:$0x3FFE];
	_ =	sdelay $0x1  }
0x8a: {  	s1 =	srdreg.scid  }
0x8b: {  	s0 =	sand.u32 $0x1, s1  }
0x8c: {  	s14 =	sshll.u32 s0, $0xA;
	s2 =	sadd.s32 s3, s2  }
0x8d: {  	s2 =	sadd.s32 s2, s14  }
0x8e: {  	[smem:$0x3FBB] =	sst s2  }
0x8f: {  	_ = 	snop  }
0x90: {  	s2 =	sld [smem:$0x3FD0];
	_ =	sdelay $0x1  }
0x91: {  	s15 =	sld [smem:$0x3FC9]  }
0x92: {  	s5 =	simm.s32 $0xA;
	s6 =	simm.s32 $0x10;
	s4 =	sld [smem:$0x3FC8]  }
0x93: {  	[smem:s6], [sflag:s5] =	dma.local [hbm:s2], $0x1  }
0x94: {  	_ =	swait.eq [sflag:s5], $0x1  }
0x95: {  	[sflag:s5] =	ssyncset.done $0x0  }
0x96: {  	s16 =	sld [smem:$0x10];
	[sflag:s5] =	ssyncadd.s32 $0xFFFFFFFF  }
0x97: {  	s17 =	sld [smem:$0x11];
	(tm) =	ssettm $0x1  }
0x98: {  	s18 =	sld [smem:$0x3FFB];
	_ =	sdelay $0x3  }
0x99: {  	_ =	strace s18  }
0x9a: {  	s6 =	sld [smem:$0x3FFC];
	_ =	sdelay $0x3  }
0x9b: {  	_ =	strace s6  }
0x9c: {  	s6 =	sld [smem:$0x3FFD];
	_ =	sdelay $0x3  }
0x9d: {  	_ =	strace s6  }
0x9e: {  	_ =	strace $0x8FFFFFFF  }
0x9f: {  	s19 =	sld [smem:$0x3FDB];
	_ =	sdelay $0x1  }
0xa0: {  	s7 =	simm.s32 $_scs_section_size  }
0xa1: {  	s8 =	simm.s32 $_size__tile_overlayer_lowered;
	s9 =	simm.s32 $_tile_overlayer_lowered  }
0xa2: {  	s22 =	simm.s32 $0x1BFF;
	s21 =	sshll.u32 s9, $0x1;
	s6 =	sadd.s32 s7, s19  }
0xa3: {  	s10 =	simm.s32 $0x0;
	s20 =	sshll.u32 s8, $0x1;
	s8 =	sadd.s32 s21, s6  }
0xa4: {  	[timem:s10], [sflag:s22] =	dma.local [hbm:s8], s20  }
0xa5: {  	_ =	swait.ge [sflag:s22], s20  }
0xa6: {  	s7 =	ssub.s32 $0x0, s20;
	[sflag:s22] =	ssyncset.done $0x0  }
0xa7: {  	[sflag:s22] =	ssyncadd.s32 s7;
	_ =	sdelay $0x1  }
0xa8: {  	s23 =	simm.s32 $0x1B8B  }
0xa9: {  	_ =	swait.ge [sflag:s23], $0x1  }
0xaa: {  	[sflag:s23] =	ssyncset.done $0x0  }
0xab: {  	s25 =	simm.s32 $0x1B8E;
	s24 =	sld [smem:$0x3FFE];
	[sflag:s23] =	ssyncadd.s32 $0xFFFFFFFF  }
0xac: {  	s26 =	simm.s32 $execute0_lowered;
	[smem:$0x3FD2] =	sst s25  }
0xad: {  	s8 =	sshll.u32 s26, $0x1;
	_ =	strace $0x80000046;
	[dreg:$0x1] =	wrdreg $0xFFFFFFFF  }
0xae: {  	s28 =	simm.s32 $_size_execute0_lowered;
	s6 =	sadd.s32 s6, s8;
	[dreg:$0x0] =	wrdreg $0x0  }
0xaf: {  	s8 =	sshll.u32 s28, $0x1;
	[dreg:$0x2] =	wrdreg s6  }
0xb0: {  	[dreg:$0x3] =	wrdreg s8  }
0xb1: {  	[dreg:$0x4] =	wrdreg $0xC0  }
0xb2: {  	_ =	task [dreg:s10], $0x5FFFF  }
0xb3: {  	[dreg:$0x1] =	wrdreg $0xFFFFFFFF  }
0xb4: {  	[dreg:$0x0] =	wrdreg $0x60  }
0xb5: {  	[dreg:$0x2] =	wrdreg s15  }
0xb6: {  	[dreg:$0x3] =	wrdreg s4  }
0xb7: {  	[dreg:$0x4] =	wrdreg s24  }
0xb8: {  	[dreg:$0x5] =	wrdreg s17  }
0xb9: {  	[dreg:$0x6] =	wrdreg s16  }
0xba: {  	[dreg:$0x7] =	wrdreg $0x9  }
0xbb: {  	_ =	task.clear_ibuf [dreg:s10], $0x8FFFF;
	_ =	strace $0x90000046  }
0xbc: {  	s29 =	simm.s32 $0x9;
	_ =	strace $0x80000048  }
0xbd: {  	_ =	swait.ge [sflag:s29], $0x1  }
0xbe: {  	[sflag:s29] =	ssyncadd.s32 $0xFFFFFFFF  }
0xbf: {  	_ =	strace $0x90000048  }
0xc0: {  	_ =	sfence  }
0xc1: {  	s30 =	sld [smem:$0x0];
	_ =	sdelay $0x2  }
0xc2: {  	s31 =	sshll.u32 s1, $0xD;
	s1 =	sshrl.u32 s1, $0x2  }
0xc3: {  	s3 =	sand.u32 $0x4000, s31;
	s1 =	sadd.s32 s1, s30  }
0xc4: {  	s0 =	sor.u32 s3, s0;
	s1 =	sshll.u32 s1, $0x11  }
0xc5: {  	s0 =	sor.u32 s1, s0  }
0xc6: {  	s0 =	sadd.s32 $0x8F2B, s0  }
0xc7: {  	[sflag:s0] =	ssyncadd.remote.s32 $0x1  }
0xc8: {  	_ =	sfence.sel $0xFFFF  }
0xc9: {  	[dreg:$0x0] =	wrdreg $0xFFFFFFFF;
	(pc) =	sbr.abs _section_cstart, $3  }
0xca: {  	[dreg:$0x1] =	wrdreg $0xFFFFFFFF  }
0xcb: {  	_ =	task.clear_ibuf [dreg:s10], $0x2FFFF;
	_ =	strace $0x9FFFFFFF  }
0xcc: {  	(tm) =	ssettm $0x7FFFFFFF  }
0xcd: {  	_ =	shalt  }
tec
execute0_lowered:
.L_overlay_start_1:
0x0: {  	(tag) =	ssettag $0x1  }
0x1: {  	s1 =	rddreg [dreg:$0x0]  }
0x2: {  	s2 =	rddreg [dreg:$0x1]  }
0x3: {  	s0 =	srdreg.scid;
	s3 =	rddreg [dreg:$0x2]  }
0x4: {  	s4 =	stileid.u32;
	s8 =	rddreg [dreg:$0x3];
	s0 =	sand.u32 $0x1, s0  }
0x5: {  	s9 =	rddreg [dreg:$0x4];
	s4 =	sshll.u32 s4, $0x9;
	s5 =	sshll.u32 s0, $0x8  }
0x6: {  	s30 =	simm.s32 $0x8100;
	s28 =	simm.s32 $0x2;
	s5 =	sor.u32 s5, s4  }
0x7: {  	s4 =	simm.s32 $0x0;
	s6 =	sshrl.u32 s5, $0x3;
	s7 =	sshll.u32 s5, $0x7  }
0x8: {  	[smem:$0x7FF] =	sst s4;
	s3 =	sadd.s32 s6, s3;
	s29 =	sadd.s32 s8, s7  }
0x9: {  	_ =	strace $0x80000047;
	s31 =	sadd.s32 s9, s7;
	[dreg:$0x7] =	wrdreg s29  }
0xa: {  	s5 =	sor.u32 $0x1000, s7;
	s3 =	sadd.s32 $0x1400, s3;
	[dreg:$0x8] =	wrdreg s31  }
0xb: {  	s0 =	ssub.s32 $0x2, s0;
	s6 =	sadd.s32 s8, s5;
	[dreg:$0x6] =	wrdreg s3  }
0xc: {  	s11 =	sor.u32 $0x2000, s7;
	s10 =	sadd.s32 s9, s5;
	[dreg:$0x9] =	wrdreg s6  }
0xd: {  	s15 =	sshrl.u32 s0, $0x1;
	s12 =	sadd.s32 s8, s11;
	[dreg:$0xa] =	wrdreg s10  }
0xe: {  	s14 =	sor.u32 $0x3000, s7;
	s13 =	sadd.s32 s9, s11;
	[dreg:$0xb] =	wrdreg s12  }
0xf: {  	s0 =	ssub.s32 s0, s15;
	s16 =	sadd.s32 s8, s14;
	[dreg:$0xc] =	wrdreg s13  }
0x10: {  	s18 =	sor.u32 $0x4000, s7;
	s17 =	sadd.s32 s9, s14;
	[dreg:$0xd] =	wrdreg s16  }
0x11: {  	s21 =	sor.u32 $0x5000, s7;
	s19 =	sadd.s32 s8, s18;
	[dreg:$0xe] =	wrdreg s17  }
0x12: {  	s26 =	sor.u32 $0x7000, s7;
	s20 =	sadd.s32 s9, s18;
	[dreg:$0xf] =	wrdreg s19  }
0x13: {  	s5 =	sadd.s32 $0x100, s1;
	s22 =	sadd.s32 s8, s21;
	[dreg:$0x10] =	wrdreg s20  }
0x14: {  	s23 =	sadd.s32 s9, s21;
	s29 =	sadd.s32 s8, s26;
	[dreg:$0x11] =	wrdreg s22  }
0x15: {  	s31 =	sadd.s32 s9, s26;
	s18 =	smax.u32 s0, $0x1;
	[dreg:$0x12] =	wrdreg s23  }
0x16: {  	s26 =	simm.s32 $0x1;
	s10 =	sor.u32 $0x6000, s7;
	[dreg:$0x15] =	wrdreg s29  }
0x17: {  	s6 =	sadd.s32 $0x200, s1;
	s7 =	sadd.s32 $0x300, s1;
	[dreg:$0x16] =	wrdreg s31  }
0x18: {  	v2 =	vlaneseq.u32;
	s12 =	simm.s32 $0x3;
	s13 =	simm.s32 $0x100;
	s24 =	sadd.s32 s8, s10  }
0x19: {  	vm0 =	vmmov $0xffff;
	v1 =	vshrl.u32 v2, $0x3;
	s25 =	sadd.s32 s9, s10;
	s8 =	sadd.s32 $0x100, s2;
	[dreg:$0x13] =	wrdreg s24  }
0x1a: {  	v0 =	vand.u32 $0x7, v2;
	v2 =	vor.u32 $0x8, v2;
	v1 =	vmul.u32 $0x8, v1;
	s9 =	sadd.s32 $0x200, s2;
	s10 =	sadd.s32 $0x300, s2;
	[dreg:$0x14] =	wrdreg s25  }
.LBB2_1:
0x1b: {  	s29 =	rddreg [dreg:$0x6]  }
0x1c: {  	[tilespmem:s4], [sflag:$0x3] =	stream.linear.gather [hbm4b:s29+s4], $0x100, $0x38;
	[tilespmem:$0x10100] =	vst v63  }
0x1d: {  	_ =	swait.ge [sflag:s12], $0x100  }
0x1e: {  	[sflag:s12] =	ssyncset.done $0x0  }
0x1f: {  	[sflag:s12] =	ssyncadd.s32 $0xFFFFFF00  }
0x20: {  	v3 =	vld [tilespmem:$0x0];
	_ =	sdelay $0x4  }
0x21: {  	v4 =	vshll.u32 v3, $0x3  }
0x22: {  	v3 =	vand.u32 $0x7, v3;
	v4 =	vand.u32 $0xFFFFFFC0, v4  }
0x23: {  	v3 =	vor.u32 v3, v4  }
0x24: {  	v4 =	vperm.xlane v3, v0;
	_ =	sdelay $0x1  }
0x25: {  	v4 =	vadd.s32 v1, v4;
	_ =	sdelay $0x4  }
0x26: {  	[tilespmem:s13], [sflag:$0x1] =	stream.indirect_vreg.gather [hbm4b:s1+s4], $0x80, v4, vm0, $0xb8;
	[tilespmem:$0x10100] =	vst v63  }
0x27: {  	s0 =	simm.s32 $0x900;
	v3 =	vperm.xlane v3, v2  }
0x28: {  	[tilespmem:s0], [sflag:$0x1] =	stream.indirect_vreg.gather [hbm4b:s5+s4], $0x80, v4, vm0, $0xb8;
	[tilespmem:$0x10100] =	vst v63  }
0x29: {  	s31 =	simm.s32 $0x1100;
	v3 =	vadd.s32 v1, v3  }
0x2a: {  	[tilespmem:s31], [sflag:$0x1] =	stream.indirect_vreg.gather [hbm4b:s6+s4], $0x80, v4, vm0, $0xb8;
	[tilespmem:$0x10100] =	vst v63  }
0x2b: {  	s11 =	simm.s32 $0x1900  }
0x2c: {  	[tilespmem:s11], [sflag:$0x1] =	stream.indirect_vreg.gather [hbm4b:s7+s4], $0x80, v4, vm0, $0xb8;
	[tilespmem:$0x10100] =	vst v63  }
0x2d: {  	s14 =	simm.s32 $0x2100  }
0x2e: {  	[tilespmem:s14], [sflag:$0x1] =	stream.indirect_vreg.gather [hbm4b:s1+s4], $0x80, v3, vm0, $0xb8;
	[tilespmem:$0x10100] =	vst v63  }
0x2f: {  	s15 =	simm.s32 $0x2900  }
0x30: {  	[tilespmem:s15], [sflag:$0x1] =	stream.indirect_vreg.gather [hbm4b:s5+s4], $0x80, v3, vm0, $0xb8;
	[tilespmem:$0x10100] =	vst v63  }
0x31: {  	s16 =	simm.s32 $0x3100  }
0x32: {  	[tilespmem:s16], [sflag:$0x1] =	stream.indirect_vreg.gather [hbm4b:s6+s4], $0x80, v3, vm0, $0xb8;
	[tilespmem:$0x10100] =	vst v63  }
0x33: {  	s17 =	simm.s32 $0x3900  }
0x34: {  	[tilespmem:s17], [sflag:$0x1] =	stream.indirect_vreg.gather [hbm4b:s7+s4], $0x80, v3, vm0, $0xb8;
	[tilespmem:$0x10100] =	vst v63  }
0x35: {  	v3 =	vld [tilespmem:$0x10];
	_ =	sdelay $0x4  }
0x36: {  	v33 =	vshll.u32 v3, $0x3  }
0x37: {  	v3 =	vand.u32 $0x7, v3;
	v4 =	vand.u32 $0xFFFFFFC0, v33  }
0x38: {  	v3 =	vor.u32 v3, v4  }
0x39: {  	v4 =	vperm.xlane v3, v0;
	_ =	sdelay $0x1  }
0x3a: {  	v4 =	vadd.s32 v1, v4;
	_ =	sdelay $0x3  }
0x3b: {  	s19 =	simm.s32 $0x4100  }
0x3c: {  	[tilespmem:s19], [sflag:$0x1] =	stream.indirect_vreg.gather [hbm4b:s1+s4], $0x80, v4, vm0, $0xb8;
	[tilespmem:$0x10100] =	vst v63  }
0x3d: {  	s20 =	simm.s32 $0x4900;
	v3 =	vperm.xlane v3, v2  }
0x3e: {  	[tilespmem:s20], [sflag:$0x1] =	stream.indirect_vreg.gather [hbm4b:s5+s4], $0x80, v4, vm0, $0xb8;
	[tilespmem:$0x10100] =	vst v63  }
0x3f: {  	s21 =	simm.s32 $0x5100;
	v3 =	vadd.s32 v1, v3  }
0x40: {  	[tilespmem:s21], [sflag:$0x1] =	stream.indirect_vreg.gather [hbm4b:s6+s4], $0x80, v4, vm0, $0xb8;
	[tilespmem:$0x10100] =	vst v63  }
0x41: {  	s22 =	simm.s32 $0x5900  }
0x42: {  	[tilespmem:s22], [sflag:$0x1] =	stream.indirect_vreg.gather [hbm4b:s7+s4], $0x80, v4, vm0, $0xb8;
	[tilespmem:$0x10100] =	vst v63  }
0x43: {  	s23 =	simm.s32 $0x6100  }
0x44: {  	[tilespmem:s23], [sflag:$0x1] =	stream.indirect_vreg.gather [hbm4b:s1+s4], $0x80, v3, vm0, $0xb8;
	[tilespmem:$0x10100] =	vst v63  }
0x45: {  	s24 =	simm.s32 $0x6900  }
0x46: {  	[tilespmem:s24], [sflag:$0x1] =	stream.indirect_vreg.gather [hbm4b:s5+s4], $0x80, v3, vm0, $0xb8;
	[tilespmem:$0x10100] =	vst v63  }
0x47: {  	s25 =	simm.s32 $0x7100  }
0x48: {  	[tilespmem:s25], [sflag:$0x1] =	stream.indirect_vreg.gather [hbm4b:s6+s4], $0x80, v3, vm0, $0xb8;
	[tilespmem:$0x10100] =	vst v63  }
0x49: {  	s29 =	simm.s32 $0x7900  }
0x4a: {  	[tilespmem:s29], [sflag:$0x1] =	stream.indirect_vreg.gather [hbm4b:s7+s4], $0x80, v3, vm0, $0xb8;
	[tilespmem:$0x10100] =	vst v63  }
0x4b: {  	v3 =	vld [tilespmem:$0x0];
	_ =	sdelay $0x4  }
0x4c: {  	v34 =	vshll.u32 v3, $0x3  }
0x4d: {  	v3 =	vand.u32 $0x7, v3;
	v4 =	vand.u32 $0xFFFFFFC0, v34  }
0x4e: {  	v3 =	vor.u32 v3, v4  }
0x4f: {  	v4 =	vperm.xlane v3, v0;
	_ =	sdelay $0x1  }
0x50: {  	v4 =	vadd.s32 v1, v4;
	_ =	sdelay $0x4  }
0x51: {  	[tilespmem:s30], [sflag:$0x2] =	stream.indirect_vreg.gather [hbm4b:s2+s4], $0x80, v4, vm0, $0xb8;
	[tilespmem:$0x10100] =	vst v63  }
0x52: {  	s31 =	simm.s32 $0x8900;
	v3 =	vperm.xlane v3, v2  }
0x53: {  	[tilespmem:s31], [sflag:$0x2] =	stream.indirect_vreg.gather [hbm4b:s8+s4], $0x80, v4, vm0, $0xb8;
	[tilespmem:$0x10100] =	vst v63  }
0x54: {  	s0 =	simm.s32 $0x9100;
	v3 =	vadd.s32 v1, v3  }
0x55: {  	[tilespmem:s0], [sflag:$0x2] =	stream.indirect_vreg.gather [hbm4b:s9+s4], $0x80, v4, vm0, $0xb8;
	[tilespmem:$0x10100] =	vst v63  }
0x56: {  	s11 =	simm.s32 $0x9900  }
0x57: {  	[tilespmem:s11], [sflag:$0x2] =	stream.indirect_vreg.gather [hbm4b:s10+s4], $0x80, v4, vm0, $0xb8;
	[tilespmem:$0x10100] =	vst v63  }
0x58: {  	s17 =	simm.s32 $0xA100  }
0x59: {  	[tilespmem:s17], [sflag:$0x2] =	stream.indirect_vreg.gather [hbm4b:s2+s4], $0x80, v3, vm0, $0xb8;
	[tilespmem:$0x10100] =	vst v63  }
0x5a: {  	s20 =	simm.s32 $0xA900  }
0x5b: {  	[tilespmem:s20], [sflag:$0x2] =	stream.indirect_vreg.gather [hbm4b:s8+s4], $0x80, v3, vm0, $0xb8;
	[tilespmem:$0x10100] =	vst v63  }
0x5c: {  	s21 =	simm.s32 $0xB100  }
0x5d: {  	[tilespmem:s21], [sflag:$0x2] =	stream.indirect_vreg.gather [hbm4b:s9+s4], $0x80, v3, vm0, $0xb8;
	[tilespmem:$0x10100] =	vst v63  }
0x5e: {  	s22 =	simm.s32 $0xB900  }
0x5f: {  	[tilespmem:s22], [sflag:$0x2] =	stream.indirect_vreg.gather [hbm4b:s10+s4], $0x80, v3, vm0, $0xb8;
	[tilespmem:$0x10100] =	vst v63  }
0x60: {  	v3 =	vld [tilespmem:$0x10];
	_ =	sdelay $0x4  }
0x61: {  	v35 =	vshll.u32 v3, $0x3  }
0x62: {  	v3 =	vand.u32 $0x7, v3;
	v4 =	vand.u32 $0xFFFFFFC0, v35  }
0x63: {  	v3 =	vor.u32 v3, v4  }
0x64: {  	v4 =	vperm.xlane v3, v0;
	_ =	sdelay $0x1  }
0x65: {  	v4 =	vadd.s32 v1, v4;
	_ =	sdelay $0x3  }
0x66: {  	s23 =	simm.s32 $0xC100  }
0x67: {  	[tilespmem:s23], [sflag:$0x2] =	stream.indirect_vreg.gather [hbm4b:s2+s4], $0x80, v4, vm0, $0xb8;
	[tilespmem:$0x10100] =	vst v63  }
0x68: {  	s24 =	simm.s32 $0xC900;
	v3 =	vperm.xlane v3, v2  }
0x69: {  	[tilespmem:s24], [sflag:$0x2] =	stream.indirect_vreg.gather [hbm4b:s8+s4], $0x80, v4, vm0, $0xb8;
	[tilespmem:$0x10100] =	vst v63  }
0x6a: {  	s25 =	simm.s32 $0xD100;
	v3 =	vadd.s32 v1, v3  }
0x6b: {  	[tilespmem:s25], [sflag:$0x2] =	stream.indirect_vreg.gather [hbm4b:s9+s4], $0x80, v4, vm0, $0xb8;
	[tilespmem:$0x10100] =	vst v63  }
0x6c: {  	s31 =	simm.s32 $0xD900  }
0x6d: {  	[tilespmem:s31], [sflag:$0x2] =	stream.indirect_vreg.gather [hbm4b:s10+s4], $0x80, v4, vm0, $0xb8;
	[tilespmem:$0x10100] =	vst v63  }
0x6e: {  	s0 =	simm.s32 $0xE100  }
0x6f: {  	[tilespmem:s0], [sflag:$0x2] =	stream.indirect_vreg.gather [hbm4b:s2+s4], $0x80, v3, vm0, $0xb8;
	[tilespmem:$0x10100] =	vst v63  }
0x70: {  	s11 =	simm.s32 $0xE900  }
0x71: {  	[tilespmem:s11], [sflag:$0x2] =	stream.indirect_vreg.gather [hbm4b:s8+s4], $0x80, v3, vm0, $0xb8;
	[tilespmem:$0x10100] =	vst v63  }
0x72: {  	s17 =	simm.s32 $0xF100  }
0x73: {  	[tilespmem:s17], [sflag:$0x2] =	stream.indirect_vreg.gather [hbm4b:s9+s4], $0x80, v3, vm0, $0xb8;
	[tilespmem:$0x10100] =	vst v63  }
0x74: {  	s23 =	simm.s32 $0xF900  }
0x75: {  	[tilespmem:s23], [sflag:$0x2] =	stream.indirect_vreg.gather [hbm4b:s10+s4], $0x80, v3, vm0, $0xb8;
	[tilespmem:$0x10100] =	vst v63  }
0x76: {  	_ =	swait.ge [sflag:s26], $0x8000  }
0x77: {  	[sflag:s26] =	ssyncset.done $0x0  }
0x78: {  	s24 =	rddreg [dreg:$0x7];
	[sflag:s26] =	ssyncadd.s32 $0xFFFF8000  }
0x79: {  	[hbm4b:s24+s4] =	stream.linear.scatter [tilespmem:s13], [sflag:$0x3], $0x8000, $0x38;
	[tilespmem:$0x10100] =	vst v63  }
0x7a: {  	_ =	swait.ge [sflag:s12], $0x8000  }
0x7b: {  	[sflag:s12] =	ssyncset.done $0x0  }
0x7c: {  	[sflag:s12] =	ssyncadd.s32 $0xFFFF8000  }
0x7d: {  	_ =	swait.ge [sflag:s28], $0x8000  }
0x7e: {  	[sflag:s28] =	ssyncset.done $0x0  }
0x7f: {  	s25 =	rddreg [dreg:$0x8];
	[sflag:s28] =	ssyncadd.s32 $0xFFFF8000  }
0x80: {  	[hbm4b:s25+s4] =	stream.linear.scatter [tilespmem:s30], [sflag:$0x3], $0x8000, $0x38;
	[tilespmem:$0x10100] =	vst v63  }
0x81: {  	_ =	swait.ge [sflag:s12], $0x8000  }
0x82: {  	[sflag:s12] =	ssyncset.done $0x0  }
0x83: {  	[sflag:s12] =	ssyncadd.s32 $0xFFFF8000  }
0x84: {  	v3 =	vld [tilespmem:$0x20];
	_ =	sdelay $0x4  }
0x85: {  	v36 =	vshll.u32 v3, $0x3  }
0x86: {  	v3 =	vand.u32 $0x7, v3;
	v4 =	vand.u32 $0xFFFFFFC0, v36  }
0x87: {  	v3 =	vor.u32 v3, v4  }
0x88: {  	v4 =	vperm.xlane v3, v0;
	_ =	sdelay $0x1  }
0x89: {  	v4 =	vadd.s32 v1, v4;
	_ =	sdelay $0x4  }
0x8a: {  	[tilespmem:s13], [sflag:$0x1] =	stream.indirect_vreg.gather [hbm4b:s1+s4], $0x80, v4, vm0, $0xb8;
	[tilespmem:$0x10100] =	vst v63  }
0x8b: {  	s3 =	simm.s32 $0x900;
	v3 =	vperm.xlane v3, v2  }
0x8c: {  	[tilespmem:s3], [sflag:$0x1] =	stream.indirect_vreg.gather [hbm4b:s5+s4], $0x80, v4, vm0, $0xb8;
	[tilespmem:$0x10100] =	vst v63  }
0x8d: {  	v3 =	vadd.s32 v1, v3;
	s3 =	simm.s32 $0x1100  }
0x8e: {  	[tilespmem:s3], [sflag:$0x1] =	stream.indirect_vreg.gather [hbm4b:s6+s4], $0x80, v4, vm0, $0xb8;
	[tilespmem:$0x10100] =	vst v63  }
0x8f: {  	s0 =	simm.s32 $0x1900  }
0x90: {  	[tilespmem:s0], [sflag:$0x1] =	stream.indirect_vreg.gather [hbm4b:s7+s4], $0x80, v4, vm0, $0xb8;
	[tilespmem:$0x10100] =	vst v63  }
0x91: {  	s11 =	simm.s32 $0x2100  }
0x92: {  	[tilespmem:s11], [sflag:$0x1] =	stream.indirect_vreg.gather [hbm4b:s1+s4], $0x80, v3, vm0, $0xb8;
	[tilespmem:$0x10100] =	vst v63  }
0x93: {  	s24 =	simm.s32 $0x2900  }
0x94: {  	[tilespmem:s24], [sflag:$0x1] =	stream.indirect_vreg.gather [hbm4b:s5+s4], $0x80, v3, vm0, $0xb8;
	[tilespmem:$0x10100] =	vst v63  }
0x95: {  	s25 =	simm.s32 $0x3100  }
0x96: {  	[tilespmem:s25], [sflag:$0x1] =	stream.indirect_vreg.gather [hbm4b:s6+s4], $0x80, v3, vm0, $0xb8;
	[tilespmem:$0x10100] =	vst v63  }
0x97: {  	s14 =	simm.s32 $0x3900  }
0x98: {  	[tilespmem:s14], [sflag:$0x1] =	stream.indirect_vreg.gather [hbm4b:s7+s4], $0x80, v3, vm0, $0xb8;
	[tilespmem:$0x10100] =	vst v63  }
0x99: {  	v3 =	vld [tilespmem:$0x30];
	_ =	sdelay $0x4  }
0x9a: {  	v37 =	vshll.u32 v3, $0x3  }
0x9b: {  	v3 =	vand.u32 $0x7, v3;
	v4 =	vand.u32 $0xFFFFFFC0, v37  }
0x9c: {  	v3 =	vor.u32 v3, v4  }
0x9d: {  	v4 =	vperm.xlane v3, v0;
	_ =	sdelay $0x1  }
0x9e: {  	v4 =	vadd.s32 v1, v4;
	_ =	sdelay $0x3  }
0x9f: {  	s15 =	simm.s32 $0x4100  }
0xa0: {  	[tilespmem:s15], [sflag:$0x1] =	stream.indirect_vreg.gather [hbm4b:s1+s4], $0x80, v4, vm0, $0xb8;
	[tilespmem:$0x10100] =	vst v63  }
0xa1: {  	s16 =	simm.s32 $0x4900;
	v3 =	vperm.xlane v3, v2  }
0xa2: {  	[tilespmem:s16], [sflag:$0x1] =	stream.indirect_vreg.gather [hbm4b:s5+s4], $0x80, v4, vm0, $0xb8;
	[tilespmem:$0x10100] =	vst v63  }
0xa3: {  	s31 =	simm.s32 $0x5100;
	v3 =	vadd.s32 v1, v3  }
0xa4: {  	[tilespmem:s31], [sflag:$0x1] =	stream.indirect_vreg.gather [hbm4b:s6+s4], $0x80, v4, vm0, $0xb8;
	[tilespmem:$0x10100] =	vst v63  }
0xa5: {  	s14 =	simm.s32 $0x5900  }
0xa6: {  	[tilespmem:s14], [sflag:$0x1] =	stream.indirect_vreg.gather [hbm4b:s7+s4], $0x80, v4, vm0, $0xb8;
	[tilespmem:$0x10100] =	vst v63  }
0xa7: {  	s15 =	simm.s32 $0x6100  }
0xa8: {  	[tilespmem:s15], [sflag:$0x1] =	stream.indirect_vreg.gather [hbm4b:s1+s4], $0x80, v3, vm0, $0xb8;
	[tilespmem:$0x10100] =	vst v63  }
0xa9: {  	s16 =	simm.s32 $0x6900  }
0xaa: {  	[tilespmem:s16], [sflag:$0x1] =	stream.indirect_vreg.gather [hbm4b:s5+s4], $0x80, v3, vm0, $0xb8;
	[tilespmem:$0x10100] =	vst v63  }
0xab: {  	s17 =	simm.s32 $0x7100  }
0xac: {  	[tilespmem:s17], [sflag:$0x1] =	stream.indirect_vreg.gather [hbm4b:s6+s4], $0x80, v3, vm0, $0xb8;
	[tilespmem:$0x10100] =	vst v63  }
0xad: {  	s29 =	simm.s32 $0x7900  }
0xae: {  	[tilespmem:s29], [sflag:$0x1] =	stream.indirect_vreg.gather [hbm4b:s7+s4], $0x80, v3, vm0, $0xb8;
	[tilespmem:$0x10100] =	vst v63  }
0xaf: {  	v3 =	vld [tilespmem:$0x20];
	_ =	sdelay $0x4  }
0xb0: {  	v38 =	vshll.u32 v3, $0x3  }
0xb1: {  	v3 =	vand.u32 $0x7, v3;
	v4 =	vand.u32 $0xFFFFFFC0, v38  }
0xb2: {  	v3 =	vor.u32 v3, v4  }
0xb3: {  	v4 =	vperm.xlane v3, v0;
	_ =	sdelay $0x1  }
0xb4: {  	v4 =	vadd.s32 v1, v4;
	_ =	sdelay $0x4  }
0xb5: {  	[tilespmem:s30], [sflag:$0x2] =	stream.indirect_vreg.gather [hbm4b:s2+s4], $0x80, v4, vm0, $0xb8;
	[tilespmem:$0x10100] =	vst v63  }
0xb6: {  	s19 =	simm.s32 $0x8900;
	v3 =	vperm.xlane v3, v2  }
0xb7: {  	[tilespmem:s19], [sflag:$0x2] =	stream.indirect_vreg.gather [hbm4b:s8+s4], $0x80, v4, vm0, $0xb8;
	[tilespmem:$0x10100] =	vst v63  }
0xb8: {  	s29 =	simm.s32 $0x9100;
	v3 =	vadd.s32 v1, v3  }
0xb9: {  	[tilespmem:s29], [sflag:$0x2] =	stream.indirect_vreg.gather [hbm4b:s9+s4], $0x80, v4, vm0, $0xb8;
	[tilespmem:$0x10100] =	vst v63  }
0xba: {  	s29 =	simm.s32 $0x9900  }
0xbb: {  	[tilespmem:s29], [sflag:$0x2] =	stream.indirect_vreg.gather [hbm4b:s10+s4], $0x80, v4, vm0, $0xb8;
	[tilespmem:$0x10100] =	vst v63  }
0xbc: {  	s29 =	simm.s32 $0xA100  }
0xbd: {  	[tilespmem:s29], [sflag:$0x2] =	stream.indirect_vreg.gather [hbm4b:s2+s4], $0x80, v3, vm0, $0xb8;
	[tilespmem:$0x10100] =	vst v63  }
0xbe: {  	s29 =	simm.s32 $0xA900  }
0xbf: {  	[tilespmem:s29], [sflag:$0x2] =	stream.indirect_vreg.gather [hbm4b:s8+s4], $0x80, v3, vm0, $0xb8;
	[tilespmem:$0x10100] =	vst v63  }
0xc0: {  	s29 =	simm.s32 $0xB100  }
0xc1: {  	[tilespmem:s29], [sflag:$0x2] =	stream.indirect_vreg.gather [hbm4b:s9+s4], $0x80, v3, vm0, $0xb8;
	[tilespmem:$0x10100] =	vst v63  }
0xc2: {  	s20 =	simm.s32 $0xB900  }
0xc3: {  	[tilespmem:s20], [sflag:$0x2] =	stream.indirect_vreg.gather [hbm4b:s10+s4], $0x80, v3, vm0, $0xb8;
	[tilespmem:$0x10100] =	vst v63  }
0xc4: {  	v3 =	vld [tilespmem:$0x30];
	_ =	sdelay $0x4  }
0xc5: {  	v39 =	vshll.u32 v3, $0x3  }
0xc6: {  	v3 =	vand.u32 $0x7, v3;
	v4 =	vand.u32 $0xFFFFFFC0, v39  }
0xc7: {  	v3 =	vor.u32 v3, v4  }
0xc8: {  	v4 =	vperm.xlane v3, v0;
	_ =	sdelay $0x1  }
0xc9: {  	v4 =	vadd.s32 v1, v4;
	_ =	sdelay $0x3  }
0xca: {  	s21 =	simm.s32 $0xC100  }
0xcb: {  	[tilespmem:s21], [sflag:$0x2] =	stream.indirect_vreg.gather [hbm4b:s2+s4], $0x80, v4, vm0, $0xb8;
	[tilespmem:$0x10100] =	vst v63  }
0xcc: {  	s22 =	simm.s32 $0xC900;
	v3 =	vperm.xlane v3, v2  }
0xcd: {  	[tilespmem:s22], [sflag:$0x2] =	stream.indirect_vreg.gather [hbm4b:s8+s4], $0x80, v4, vm0, $0xb8;
	[tilespmem:$0x10100] =	vst v63  }
0xce: {  	v3 =	vadd.s32 v1, v3;
	s21 =	simm.s32 $0xD100  }
0xcf: {  	[tilespmem:s21], [sflag:$0x2] =	stream.indirect_vreg.gather [hbm4b:s9+s4], $0x80, v4, vm0, $0xb8;
	[tilespmem:$0x10100] =	vst v63  }
0xd0: {  	s22 =	simm.s32 $0xD900  }
0xd1: {  	[tilespmem:s22], [sflag:$0x2] =	stream.indirect_vreg.gather [hbm4b:s10+s4], $0x80, v4, vm0, $0xb8;
	[tilespmem:$0x10100] =	vst v63  }
0xd2: {  	s29 =	simm.s32 $0xE100  }
0xd3: {  	[tilespmem:s29], [sflag:$0x2] =	stream.indirect_vreg.gather [hbm4b:s2+s4], $0x80, v3, vm0, $0xb8;
	[tilespmem:$0x10100] =	vst v63  }
0xd4: {  	s29 =	simm.s32 $0xE900  }
0xd5: {  	[tilespmem:s29], [sflag:$0x2] =	stream.indirect_vreg.gather [hbm4b:s8+s4], $0x80, v3, vm0, $0xb8;
	[tilespmem:$0x10100] =	vst v63  }
0xd6: {  	s29 =	simm.s32 $0xF100  }
0xd7: {  	[tilespmem:s29], [sflag:$0x2] =	stream.indirect_vreg.gather [hbm4b:s9+s4], $0x80, v3, vm0, $0xb8;
	[tilespmem:$0x10100] =	vst v63  }
0xd8: {  	s23 =	simm.s32 $0xF900  }
0xd9: {  	[tilespmem:s23], [sflag:$0x2] =	stream.indirect_vreg.gather [hbm4b:s10+s4], $0x80, v3, vm0, $0xb8;
	[tilespmem:$0x10100] =	vst v63  }
0xda: {  	_ =	swait.ge [sflag:s26], $0x8000  }
0xdb: {  	[sflag:s26] =	ssyncset.done $0x0  }
0xdc: {  	s29 =	rddreg [dreg:$0x9];
	[sflag:s26] =	ssyncadd.s32 $0xFFFF8000  }
0xdd: {  	[hbm4b:s29+s4] =	stream.linear.scatter [tilespmem:s13], [sflag:$0x3], $0x8000, $0x38;
	[tilespmem:$0x10100] =	vst v63  }
0xde: {  	_ =	swait.ge [sflag:s12], $0x8000  }
0xdf: {  	[sflag:s12] =	ssyncset.done $0x0  }
0xe0: {  	[sflag:s12] =	ssyncadd.s32 $0xFFFF8000  }
0xe1: {  	_ =	swait.ge [sflag:s28], $0x8000  }
0xe2: {  	[sflag:s28] =	ssyncset.done $0x0  }
0xe3: {  	s29 =	rddreg [dreg:$0xa];
	[sflag:s28] =	ssyncadd.s32 $0xFFFF8000  }
0xe4: {  	[hbm4b:s29+s4] =	stream.linear.scatter [tilespmem:s30], [sflag:$0x3], $0x8000, $0x38;
	[tilespmem:$0x10100] =	vst v63  }
0xe5: {  	_ =	swait.ge [sflag:s12], $0x8000  }
0xe6: {  	[sflag:s12] =	ssyncset.done $0x0  }
0xe7: {  	[sflag:s12] =	ssyncadd.s32 $0xFFFF8000  }
0xe8: {  	v3 =	vld [tilespmem:$0x40];
	_ =	sdelay $0x4  }
0xe9: {  	v40 =	vshll.u32 v3, $0x3  }
0xea: {  	v3 =	vand.u32 $0x7, v3;
	v4 =	vand.u32 $0xFFFFFFC0, v40  }
0xeb: {  	v3 =	vor.u32 v3, v4  }
0xec: {  	v4 =	vperm.xlane v3, v0;
	_ =	sdelay $0x1  }
0xed: {  	v4 =	vadd.s32 v1, v4;
	_ =	sdelay $0x4  }
0xee: {  	[tilespmem:s13], [sflag:$0x1] =	stream.indirect_vreg.gather [hbm4b:s1+s4], $0x80, v4, vm0, $0xb8;
	[tilespmem:$0x10100] =	vst v63  }
0xef: {  	s29 =	simm.s32 $0x900;
	v3 =	vperm.xlane v3, v2  }
0xf0: {  	[tilespmem:s29], [sflag:$0x1] =	stream.indirect_vreg.gather [hbm4b:s5+s4], $0x80, v4, vm0, $0xb8;
	[tilespmem:$0x10100] =	vst v63  }
0xf1: {  	v3 =	vadd.s32 v1, v3  }
0xf2: {  	[tilespmem:s3], [sflag:$0x1] =	stream.indirect_vreg.gather [hbm4b:s6+s4], $0x80, v4, vm0, $0xb8;
	[tilespmem:$0x10100] =	vst v63  }
0xf3: {  	_ = 	snop  }
0xf4: {  	[tilespmem:s0], [sflag:$0x1] =	stream.indirect_vreg.gather [hbm4b:s7+s4], $0x80, v4, vm0, $0xb8;
	[tilespmem:$0x10100] =	vst v63  }
0xf5: {  	_ = 	snop  }
0xf6: {  	[tilespmem:s11], [sflag:$0x1] =	stream.indirect_vreg.gather [hbm4b:s1+s4], $0x80, v3, vm0, $0xb8;
	[tilespmem:$0x10100] =	vst v63  }
0xf7: {  	_ = 	snop  }
0xf8: {  	[tilespmem:s24], [sflag:$0x1] =	stream.indirect_vreg.gather [hbm4b:s5+s4], $0x80, v3, vm0, $0xb8;
	[tilespmem:$0x10100] =	vst v63  }
0xf9: {  	_ = 	snop  }
0xfa: {  	[tilespmem:s25], [sflag:$0x1] =	stream.indirect_vreg.gather [hbm4b:s6+s4], $0x80, v3, vm0, $0xb8;
	[tilespmem:$0x10100] =	vst v63  }
0xfb: {  	s29 =	simm.s32 $0x3900  }
0xfc: {  	[tilespmem:s29], [sflag:$0x1] =	stream.indirect_vreg.gather [hbm4b:s7+s4], $0x80, v3, vm0, $0xb8;
	[tilespmem:$0x10100] =	vst v63  }
0xfd: {  	v3 =	vld [tilespmem:$0x50];
	_ =	sdelay $0x4  }
0xfe: {  	v41 =	vshll.u32 v3, $0x3  }
0xff: {  	v3 =	vand.u32 $0x7, v3;
	v4 =	vand.u32 $0xFFFFFFC0, v41  }
0x100: {  	v3 =	vor.u32 v3, v4  }
0x101: {  	v4 =	vperm.xlane v3, v0;
	_ =	sdelay $0x1  }
0x102: {  	v4 =	vadd.s32 v1, v4;
	_ =	sdelay $0x3  }
0x103: {  	s29 =	simm.s32 $0x4100  }
0x104: {  	[tilespmem:s29], [sflag:$0x1] =	stream.indirect_vreg.gather [hbm4b:s1+s4], $0x80, v4, vm0, $0xb8;
	[tilespmem:$0x10100] =	vst v63  }
0x105: {  	v3 =	vperm.xlane v3, v2;
	s29 =	simm.s32 $0x4900  }
0x106: {  	[tilespmem:s29], [sflag:$0x1] =	stream.indirect_vreg.gather [hbm4b:s5+s4], $0x80, v4, vm0, $0xb8;
	[tilespmem:$0x10100] =	vst v63  }
0x107: {  	v3 =	vadd.s32 v1, v3  }
0x108: {  	[tilespmem:s31], [sflag:$0x1] =	stream.indirect_vreg.gather [hbm4b:s6+s4], $0x80, v4, vm0, $0xb8;
	[tilespmem:$0x10100] =	vst v63  }
0x109: {  	_ = 	snop  }
0x10a: {  	[tilespmem:s14], [sflag:$0x1] =	stream.indirect_vreg.gather [hbm4b:s7+s4], $0x80, v4, vm0, $0xb8;
	[tilespmem:$0x10100] =	vst v63  }
0x10b: {  	_ = 	snop  }
0x10c: {  	[tilespmem:s15], [sflag:$0x1] =	stream.indirect_vreg.gather [hbm4b:s1+s4], $0x80, v3, vm0, $0xb8;
	[tilespmem:$0x10100] =	vst v63  }
0x10d: {  	_ = 	snop  }
0x10e: {  	[tilespmem:s16], [sflag:$0x1] =	stream.indirect_vreg.gather [hbm4b:s5+s4], $0x80, v3, vm0, $0xb8;
	[tilespmem:$0x10100] =	vst v63  }
0x10f: {  	_ = 	snop  }
0x110: {  	[tilespmem:s17], [sflag:$0x1] =	stream.indirect_vreg.gather [hbm4b:s6+s4], $0x80, v3, vm0, $0xb8;
	[tilespmem:$0x10100] =	vst v63  }
0x111: {  	s29 =	simm.s32 $0x7900  }
0x112: {  	[tilespmem:s29], [sflag:$0x1] =	stream.indirect_vreg.gather [hbm4b:s7+s4], $0x80, v3, vm0, $0xb8;
	[tilespmem:$0x10100] =	vst v63  }
0x113: {  	v3 =	vld [tilespmem:$0x40];
	_ =	sdelay $0x4  }
0x114: {  	v42 =	vshll.u32 v3, $0x3  }
0x115: {  	v3 =	vand.u32 $0x7, v3;
	v4 =	vand.u32 $0xFFFFFFC0, v42  }
0x116: {  	v3 =	vor.u32 v3, v4  }
0x117: {  	v4 =	vperm.xlane v3, v0;
	_ =	sdelay $0x1  }
0x118: {  	v4 =	vadd.s32 v1, v4;
	_ =	sdelay $0x4  }
0x119: {  	[tilespmem:s30], [sflag:$0x2] =	stream.indirect_vreg.gather [hbm4b:s2+s4], $0x80, v4, vm0, $0xb8;
	[tilespmem:$0x10100] =	vst v63  }
0x11a: {  	s29 =	simm.s32 $0x8900;
	v3 =	vperm.xlane v3, v2  }
0x11b: {  	[tilespmem:s29], [sflag:$0x2] =	stream.indirect_vreg.gather [hbm4b:s8+s4], $0x80, v4, vm0, $0xb8;
	[tilespmem:$0x10100] =	vst v63  }
0x11c: {  	s19 =	simm.s32 $0x9100;
	v3 =	vadd.s32 v1, v3  }
0x11d: {  	[tilespmem:s19], [sflag:$0x2] =	stream.indirect_vreg.gather [hbm4b:s9+s4], $0x80, v4, vm0, $0xb8;
	[tilespmem:$0x10100] =	vst v63  }
0x11e: {  	s29 =	simm.s32 $0x9900  }
0x11f: {  	[tilespmem:s29], [sflag:$0x2] =	stream.indirect_vreg.gather [hbm4b:s10+s4], $0x80, v4, vm0, $0xb8;
	[tilespmem:$0x10100] =	vst v63  }
0x120: {  	s29 =	simm.s32 $0xA100  }
0x121: {  	[tilespmem:s29], [sflag:$0x2] =	stream.indirect_vreg.gather [hbm4b:s2+s4], $0x80, v3, vm0, $0xb8;
	[tilespmem:$0x10100] =	vst v63  }
0x122: {  	s29 =	simm.s32 $0xA900  }
0x123: {  	[tilespmem:s29], [sflag:$0x2] =	stream.indirect_vreg.gather [hbm4b:s8+s4], $0x80, v3, vm0, $0xb8;
	[tilespmem:$0x10100] =	vst v63  }
0x124: {  	s29 =	simm.s32 $0xB100  }
0x125: {  	[tilespmem:s29], [sflag:$0x2] =	stream.indirect_vreg.gather [hbm4b:s9+s4], $0x80, v3, vm0, $0xb8;
	[tilespmem:$0x10100] =	vst v63  }
0x126: {  	s29 =	simm.s32 $0xB900  }
0x127: {  	[tilespmem:s29], [sflag:$0x2] =	stream.indirect_vreg.gather [hbm4b:s10+s4], $0x80, v3, vm0, $0xb8;
	[tilespmem:$0x10100] =	vst v63  }
0x128: {  	v3 =	vld [tilespmem:$0x50];
	_ =	sdelay $0x4  }
0x129: {  	v43 =	vshll.u32 v3, $0x3  }
0x12a: {  	v3 =	vand.u32 $0x7, v3;
	v4 =	vand.u32 $0xFFFFFFC0, v43  }
0x12b: {  	v3 =	vor.u32 v3, v4  }
0x12c: {  	v4 =	vperm.xlane v3, v0;
	_ =	sdelay $0x1  }
0x12d: {  	v4 =	vadd.s32 v1, v4;
	_ =	sdelay $0x3  }
0x12e: {  	s29 =	simm.s32 $0xC100  }
0x12f: {  	[tilespmem:s29], [sflag:$0x2] =	stream.indirect_vreg.gather [hbm4b:s2+s4], $0x80, v4, vm0, $0xb8;
	[tilespmem:$0x10100] =	vst v63  }
0x130: {  	v3 =	vperm.xlane v3, v2;
	s29 =	simm.s32 $0xC900  }
0x131: {  	[tilespmem:s29], [sflag:$0x2] =	stream.indirect_vreg.gather [hbm4b:s8+s4], $0x80, v4, vm0, $0xb8;
	[tilespmem:$0x10100] =	vst v63  }
0x132: {  	s20 =	simm.s32 $0xD100;
	v3 =	vadd.s32 v1, v3  }
0x133: {  	[tilespmem:s20], [sflag:$0x2] =	stream.indirect_vreg.gather [hbm4b:s9+s4], $0x80, v4, vm0, $0xb8;
	[tilespmem:$0x10100] =	vst v63  }
0x134: {  	s21 =	simm.s32 $0xD900  }
0x135: {  	[tilespmem:s21], [sflag:$0x2] =	stream.indirect_vreg.gather [hbm4b:s10+s4], $0x80, v4, vm0, $0xb8;
	[tilespmem:$0x10100] =	vst v63  }
0x136: {  	s22 =	simm.s32 $0xE100  }
0x137: {  	[tilespmem:s22], [sflag:$0x2] =	stream.indirect_vreg.gather [hbm4b:s2+s4], $0x80, v3, vm0, $0xb8;
	[tilespmem:$0x10100] =	vst v63  }
0x138: {  	s29 =	simm.s32 $0xE900  }
0x139: {  	[tilespmem:s29], [sflag:$0x2] =	stream.indirect_vreg.gather [hbm4b:s8+s4], $0x80, v3, vm0, $0xb8;
	[tilespmem:$0x10100] =	vst v63  }
0x13a: {  	s29 =	simm.s32 $0xF100  }
0x13b: {  	[tilespmem:s29], [sflag:$0x2] =	stream.indirect_vreg.gather [hbm4b:s9+s4], $0x80, v3, vm0, $0xb8;
	[tilespmem:$0x10100] =	vst v63  }
0x13c: {  	s23 =	simm.s32 $0xF900  }
0x13d: {  	[tilespmem:s23], [sflag:$0x2] =	stream.indirect_vreg.gather [hbm4b:s10+s4], $0x80, v3, vm0, $0xb8;
	[tilespmem:$0x10100] =	vst v63  }
0x13e: {  	_ =	swait.ge [sflag:s26], $0x8000  }
0x13f: {  	[sflag:s26] =	ssyncset.done $0x0  }
0x140: {  	s29 =	rddreg [dreg:$0xb];
	[sflag:s26] =	ssyncadd.s32 $0xFFFF8000  }
0x141: {  	[hbm4b:s29+s4] =	stream.linear.scatter [tilespmem:s13], [sflag:$0x3], $0x8000, $0x38;
	[tilespmem:$0x10100] =	vst v63  }
0x142: {  	_ =	swait.ge [sflag:s12], $0x8000  }
0x143: {  	[sflag:s12] =	ssyncset.done $0x0  }
0x144: {  	[sflag:s12] =	ssyncadd.s32 $0xFFFF8000  }
0x145: {  	_ =	swait.ge [sflag:s28], $0x8000  }
0x146: {  	[sflag:s28] =	ssyncset.done $0x0  }
0x147: {  	s29 =	rddreg [dreg:$0xc];
	[sflag:s28] =	ssyncadd.s32 $0xFFFF8000  }
0x148: {  	[hbm4b:s29+s4] =	stream.linear.scatter [tilespmem:s30], [sflag:$0x3], $0x8000, $0x38;
	[tilespmem:$0x10100] =	vst v63  }
0x149: {  	_ =	swait.ge [sflag:s12], $0x8000  }
0x14a: {  	[sflag:s12] =	ssyncset.done $0x0  }
0x14b: {  	[sflag:s12] =	ssyncadd.s32 $0xFFFF8000  }
0x14c: {  	v3 =	vld [tilespmem:$0x60];
	_ =	sdelay $0x4  }
0x14d: {  	v44 =	vshll.u32 v3, $0x3  }
0x14e: {  	v3 =	vand.u32 $0x7, v3;
	v4 =	vand.u32 $0xFFFFFFC0, v44  }
0x14f: {  	v3 =	vor.u32 v3, v4  }
0x150: {  	v4 =	vperm.xlane v3, v0;
	_ =	sdelay $0x1  }
0x151: {  	v4 =	vadd.s32 v1, v4;
	_ =	sdelay $0x4  }
0x152: {  	[tilespmem:s13], [sflag:$0x1] =	stream.indirect_vreg.gather [hbm4b:s1+s4], $0x80, v4, vm0, $0xb8;
	[tilespmem:$0x10100] =	vst v63  }
0x153: {  	s29 =	simm.s32 $0x900;
	v3 =	vperm.xlane v3, v2  }
0x154: {  	[tilespmem:s29], [sflag:$0x1] =	stream.indirect_vreg.gather [hbm4b:s5+s4], $0x80, v4, vm0, $0xb8;
	[tilespmem:$0x10100] =	vst v63  }
0x155: {  	s3 =	simm.s32 $0x1100;
	v3 =	vadd.s32 v1, v3  }
0x156: {  	[tilespmem:s3], [sflag:$0x1] =	stream.indirect_vreg.gather [hbm4b:s6+s4], $0x80, v4, vm0, $0xb8;
	[tilespmem:$0x10100] =	vst v63  }
0x157: {  	s0 =	simm.s32 $0x1900  }
0x158: {  	[tilespmem:s0], [sflag:$0x1] =	stream.indirect_vreg.gather [hbm4b:s7+s4], $0x80, v4, vm0, $0xb8;
	[tilespmem:$0x10100] =	vst v63  }
0x159: {  	s11 =	simm.s32 $0x2100  }
0x15a: {  	[tilespmem:s11], [sflag:$0x1] =	stream.indirect_vreg.gather [hbm4b:s1+s4], $0x80, v3, vm0, $0xb8;
	[tilespmem:$0x10100] =	vst v63  }
0x15b: {  	s24 =	simm.s32 $0x2900  }
0x15c: {  	[tilespmem:s24], [sflag:$0x1] =	stream.indirect_vreg.gather [hbm4b:s5+s4], $0x80, v3, vm0, $0xb8;
	[tilespmem:$0x10100] =	vst v63  }
0x15d: {  	s25 =	simm.s32 $0x3100  }
0x15e: {  	[tilespmem:s25], [sflag:$0x1] =	stream.indirect_vreg.gather [hbm4b:s6+s4], $0x80, v3, vm0, $0xb8;
	[tilespmem:$0x10100] =	vst v63  }
0x15f: {  	s29 =	simm.s32 $0x3900  }
0x160: {  	[tilespmem:s29], [sflag:$0x1] =	stream.indirect_vreg.gather [hbm4b:s7+s4], $0x80, v3, vm0, $0xb8;
	[tilespmem:$0x10100] =	vst v63  }
0x161: {  	v3 =	vld [tilespmem:$0x70];
	_ =	sdelay $0x4  }
0x162: {  	v45 =	vshll.u32 v3, $0x3  }
0x163: {  	v3 =	vand.u32 $0x7, v3;
	v4 =	vand.u32 $0xFFFFFFC0, v45  }
0x164: {  	v3 =	vor.u32 v3, v4  }
0x165: {  	v4 =	vperm.xlane v3, v0;
	_ =	sdelay $0x1  }
0x166: {  	v4 =	vadd.s32 v1, v4;
	_ =	sdelay $0x3  }
0x167: {  	s29 =	simm.s32 $0x4100  }
0x168: {  	[tilespmem:s29], [sflag:$0x1] =	stream.indirect_vreg.gather [hbm4b:s1+s4], $0x80, v4, vm0, $0xb8;
	[tilespmem:$0x10100] =	vst v63  }
0x169: {  	v3 =	vperm.xlane v3, v2;
	s29 =	simm.s32 $0x4900  }
0x16a: {  	[tilespmem:s29], [sflag:$0x1] =	stream.indirect_vreg.gather [hbm4b:s5+s4], $0x80, v4, vm0, $0xb8;
	[tilespmem:$0x10100] =	vst v63  }
0x16b: {  	s31 =	simm.s32 $0x5100;
	v3 =	vadd.s32 v1, v3  }
0x16c: {  	[tilespmem:s31], [sflag:$0x1] =	stream.indirect_vreg.gather [hbm4b:s6+s4], $0x80, v4, vm0, $0xb8;
	[tilespmem:$0x10100] =	vst v63  }
0x16d: {  	s14 =	simm.s32 $0x5900  }
0x16e: {  	[tilespmem:s14], [sflag:$0x1] =	stream.indirect_vreg.gather [hbm4b:s7+s4], $0x80, v4, vm0, $0xb8;
	[tilespmem:$0x10100] =	vst v63  }
0x16f: {  	s15 =	simm.s32 $0x6100  }
0x170: {  	[tilespmem:s15], [sflag:$0x1] =	stream.indirect_vreg.gather [hbm4b:s1+s4], $0x80, v3, vm0, $0xb8;
	[tilespmem:$0x10100] =	vst v63  }
0x171: {  	s16 =	simm.s32 $0x6900  }
0x172: {  	[tilespmem:s16], [sflag:$0x1] =	stream.indirect_vreg.gather [hbm4b:s5+s4], $0x80, v3, vm0, $0xb8;
	[tilespmem:$0x10100] =	vst v63  }
0x173: {  	s17 =	simm.s32 $0x7100  }
0x174: {  	[tilespmem:s17], [sflag:$0x1] =	stream.indirect_vreg.gather [hbm4b:s6+s4], $0x80, v3, vm0, $0xb8;
	[tilespmem:$0x10100] =	vst v63  }
0x175: {  	s24 =	simm.s32 $0x7900  }
0x176: {  	[tilespmem:s24], [sflag:$0x1] =	stream.indirect_vreg.gather [hbm4b:s7+s4], $0x80, v3, vm0, $0xb8;
	[tilespmem:$0x10100] =	vst v63  }
0x177: {  	v3 =	vld [tilespmem:$0x60];
	_ =	sdelay $0x4  }
0x178: {  	v46 =	vshll.u32 v3, $0x3  }
0x179: {  	v3 =	vand.u32 $0x7, v3;
	v4 =	vand.u32 $0xFFFFFFC0, v46  }
0x17a: {  	v3 =	vor.u32 v3, v4  }
0x17b: {  	v4 =	vperm.xlane v3, v0;
	_ =	sdelay $0x1  }
0x17c: {  	v4 =	vadd.s32 v1, v4;
	_ =	sdelay $0x4  }
0x17d: {  	[tilespmem:s30], [sflag:$0x2] =	stream.indirect_vreg.gather [hbm4b:s2+s4], $0x80, v4, vm0, $0xb8;
	[tilespmem:$0x10100] =	vst v63  }
0x17e: {  	s29 =	simm.s32 $0x8900;
	v3 =	vperm.xlane v3, v2  }
0x17f: {  	[tilespmem:s29], [sflag:$0x2] =	stream.indirect_vreg.gather [hbm4b:s8+s4], $0x80, v4, vm0, $0xb8;
	[tilespmem:$0x10100] =	vst v63  }
0x180: {  	s19 =	simm.s32 $0x9100;
	v3 =	vadd.s32 v1, v3  }
0x181: {  	[tilespmem:s19], [sflag:$0x2] =	stream.indirect_vreg.gather [hbm4b:s9+s4], $0x80, v4, vm0, $0xb8;
	[tilespmem:$0x10100] =	vst v63  }
0x182: {  	s24 =	simm.s32 $0x9900  }
0x183: {  	[tilespmem:s24], [sflag:$0x2] =	stream.indirect_vreg.gather [hbm4b:s10+s4], $0x80, v4, vm0, $0xb8;
	[tilespmem:$0x10100] =	vst v63  }
0x184: {  	s29 =	simm.s32 $0xA100  }
0x185: {  	[tilespmem:s29], [sflag:$0x2] =	stream.indirect_vreg.gather [hbm4b:s2+s4], $0x80, v3, vm0, $0xb8;
	[tilespmem:$0x10100] =	vst v63  }
0x186: {  	s29 =	simm.s32 $0xA900  }
0x187: {  	[tilespmem:s29], [sflag:$0x2] =	stream.indirect_vreg.gather [hbm4b:s8+s4], $0x80, v3, vm0, $0xb8;
	[tilespmem:$0x10100] =	vst v63  }
0x188: {  	s29 =	simm.s32 $0xB100  }
0x189: {  	[tilespmem:s29], [sflag:$0x2] =	stream.indirect_vreg.gather [hbm4b:s9+s4], $0x80, v3, vm0, $0xb8;
	[tilespmem:$0x10100] =	vst v63  }
0x18a: {  	s29 =	simm.s32 $0xB900  }
0x18b: {  	[tilespmem:s29], [sflag:$0x2] =	stream.indirect_vreg.gather [hbm4b:s10+s4], $0x80, v3, vm0, $0xb8;
	[tilespmem:$0x10100] =	vst v63  }
0x18c: {  	v3 =	vld [tilespmem:$0x70];
	_ =	sdelay $0x4  }
0x18d: {  	v47 =	vshll.u32 v3, $0x3  }
0x18e: {  	v3 =	vand.u32 $0x7, v3;
	v4 =	vand.u32 $0xFFFFFFC0, v47  }
0x18f: {  	v3 =	vor.u32 v3, v4  }
0x190: {  	v4 =	vperm.xlane v3, v0;
	_ =	sdelay $0x1  }
0x191: {  	v4 =	vadd.s32 v1, v4;
	_ =	sdelay $0x3  }
0x192: {  	s29 =	simm.s32 $0xC100  }
0x193: {  	[tilespmem:s29], [sflag:$0x2] =	stream.indirect_vreg.gather [hbm4b:s2+s4], $0x80, v4, vm0, $0xb8;
	[tilespmem:$0x10100] =	vst v63  }
0x194: {  	v3 =	vperm.xlane v3, v2;
	s29 =	simm.s32 $0xC900  }
0x195: {  	[tilespmem:s29], [sflag:$0x2] =	stream.indirect_vreg.gather [hbm4b:s8+s4], $0x80, v4, vm0, $0xb8;
	[tilespmem:$0x10100] =	vst v63  }
0x196: {  	s20 =	simm.s32 $0xD100;
	v3 =	vadd.s32 v1, v3  }
0x197: {  	[tilespmem:s20], [sflag:$0x2] =	stream.indirect_vreg.gather [hbm4b:s9+s4], $0x80, v4, vm0, $0xb8;
	[tilespmem:$0x10100] =	vst v63  }
0x198: {  	s21 =	simm.s32 $0xD900  }
0x199: {  	[tilespmem:s21], [sflag:$0x2] =	stream.indirect_vreg.gather [hbm4b:s10+s4], $0x80, v4, vm0, $0xb8;
	[tilespmem:$0x10100] =	vst v63  }
0x19a: {  	s22 =	simm.s32 $0xE100  }
0x19b: {  	[tilespmem:s22], [sflag:$0x2] =	stream.indirect_vreg.gather [hbm4b:s2+s4], $0x80, v3, vm0, $0xb8;
	[tilespmem:$0x10100] =	vst v63  }
0x19c: {  	s29 =	simm.s32 $0xE900  }
0x19d: {  	[tilespmem:s29], [sflag:$0x2] =	stream.indirect_vreg.gather [hbm4b:s8+s4], $0x80, v3, vm0, $0xb8;
	[tilespmem:$0x10100] =	vst v63  }
0x19e: {  	s29 =	simm.s32 $0xF100  }
0x19f: {  	[tilespmem:s29], [sflag:$0x2] =	stream.indirect_vreg.gather [hbm4b:s9+s4], $0x80, v3, vm0, $0xb8;
	[tilespmem:$0x10100] =	vst v63  }
0x1a0: {  	s23 =	simm.s32 $0xF900  }
0x1a1: {  	[tilespmem:s23], [sflag:$0x2] =	stream.indirect_vreg.gather [hbm4b:s10+s4], $0x80, v3, vm0, $0xb8;
	[tilespmem:$0x10100] =	vst v63  }
0x1a2: {  	_ =	swait.ge [sflag:s26], $0x8000  }
0x1a3: {  	[sflag:s26] =	ssyncset.done $0x0  }
0x1a4: {  	s29 =	rddreg [dreg:$0xd];
	[sflag:s26] =	ssyncadd.s32 $0xFFFF8000  }
0x1a5: {  	[hbm4b:s29+s4] =	stream.linear.scatter [tilespmem:s13], [sflag:$0x3], $0x8000, $0x38;
	[tilespmem:$0x10100] =	vst v63  }
0x1a6: {  	_ =	swait.ge [sflag:s12], $0x8000  }
0x1a7: {  	[sflag:s12] =	ssyncset.done $0x0  }
0x1a8: {  	[sflag:s12] =	ssyncadd.s32 $0xFFFF8000  }
0x1a9: {  	_ =	swait.ge [sflag:s28], $0x8000  }
0x1aa: {  	[sflag:s28] =	ssyncset.done $0x0  }
0x1ab: {  	s29 =	rddreg [dreg:$0xe];
	[sflag:s28] =	ssyncadd.s32 $0xFFFF8000  }
0x1ac: {  	[hbm4b:s29+s4] =	stream.linear.scatter [tilespmem:s30], [sflag:$0x3], $0x8000, $0x38;
	[tilespmem:$0x10100] =	vst v63  }
0x1ad: {  	_ =	swait.ge [sflag:s12], $0x8000  }
0x1ae: {  	[sflag:s12] =	ssyncset.done $0x0  }
0x1af: {  	[sflag:s12] =	ssyncadd.s32 $0xFFFF8000  }
0x1b0: {  	v3 =	vld [tilespmem:$0x80];
	_ =	sdelay $0x4  }
0x1b1: {  	v48 =	vshll.u32 v3, $0x3  }
0x1b2: {  	v3 =	vand.u32 $0x7, v3;
	v4 =	vand.u32 $0xFFFFFFC0, v48  }
0x1b3: {  	v3 =	vor.u32 v3, v4  }
0x1b4: {  	v4 =	vperm.xlane v3, v0;
	_ =	sdelay $0x1  }
0x1b5: {  	v4 =	vadd.s32 v1, v4;
	_ =	sdelay $0x4  }
0x1b6: {  	[tilespmem:s13], [sflag:$0x1] =	stream.indirect_vreg.gather [hbm4b:s1+s4], $0x80, v4, vm0, $0xb8;
	[tilespmem:$0x10100] =	vst v63  }
0x1b7: {  	s29 =	simm.s32 $0x900;
	v3 =	vperm.xlane v3, v2  }
0x1b8: {  	[tilespmem:s29], [sflag:$0x1] =	stream.indirect_vreg.gather [hbm4b:s5+s4], $0x80, v4, vm0, $0xb8;
	[tilespmem:$0x10100] =	vst v63  }
0x1b9: {  	v3 =	vadd.s32 v1, v3;
	s29 =	simm.s32 $0x1100  }
0x1ba: {  	[tilespmem:s29], [sflag:$0x1] =	stream.indirect_vreg.gather [hbm4b:s6+s4], $0x80, v4, vm0, $0xb8;
	[tilespmem:$0x10100] =	vst v63  }
0x1bb: {  	s0 =	simm.s32 $0x1900  }
0x1bc: {  	[tilespmem:s0], [sflag:$0x1] =	stream.indirect_vreg.gather [hbm4b:s7+s4], $0x80, v4, vm0, $0xb8;
	[tilespmem:$0x10100] =	vst v63  }
0x1bd: {  	s3 =	simm.s32 $0x2100  }
0x1be: {  	[tilespmem:s3], [sflag:$0x1] =	stream.indirect_vreg.gather [hbm4b:s1+s4], $0x80, v3, vm0, $0xb8;
	[tilespmem:$0x10100] =	vst v63  }
0x1bf: {  	s11 =	simm.s32 $0x2900  }
0x1c0: {  	[tilespmem:s11], [sflag:$0x1] =	stream.indirect_vreg.gather [hbm4b:s5+s4], $0x80, v3, vm0, $0xb8;
	[tilespmem:$0x10100] =	vst v63  }
0x1c1: {  	s25 =	simm.s32 $0x3100  }
0x1c2: {  	[tilespmem:s25], [sflag:$0x1] =	stream.indirect_vreg.gather [hbm4b:s6+s4], $0x80, v3, vm0, $0xb8;
	[tilespmem:$0x10100] =	vst v63  }
0x1c3: {  	s29 =	simm.s32 $0x3900  }
0x1c4: {  	[tilespmem:s29], [sflag:$0x1] =	stream.indirect_vreg.gather [hbm4b:s7+s4], $0x80, v3, vm0, $0xb8;
	[tilespmem:$0x10100] =	vst v63  }
0x1c5: {  	v3 =	vld [tilespmem:$0x90];
	_ =	sdelay $0x4  }
0x1c6: {  	v49 =	vshll.u32 v3, $0x3  }
0x1c7: {  	v3 =	vand.u32 $0x7, v3;
	v4 =	vand.u32 $0xFFFFFFC0, v49  }
0x1c8: {  	v3 =	vor.u32 v3, v4  }
0x1c9: {  	v4 =	vperm.xlane v3, v0;
	_ =	sdelay $0x1  }
0x1ca: {  	v4 =	vadd.s32 v1, v4;
	_ =	sdelay $0x3  }
0x1cb: {  	s29 =	simm.s32 $0x4100  }
0x1cc: {  	[tilespmem:s29], [sflag:$0x1] =	stream.indirect_vreg.gather [hbm4b:s1+s4], $0x80, v4, vm0, $0xb8;
	[tilespmem:$0x10100] =	vst v63  }
0x1cd: {  	v3 =	vperm.xlane v3, v2;
	s29 =	simm.s32 $0x4900  }
0x1ce: {  	[tilespmem:s29], [sflag:$0x1] =	stream.indirect_vreg.gather [hbm4b:s5+s4], $0x80, v4, vm0, $0xb8;
	[tilespmem:$0x10100] =	vst v63  }
0x1cf: {  	s31 =	simm.s32 $0x5100;
	v3 =	vadd.s32 v1, v3  }
0x1d0: {  	[tilespmem:s31], [sflag:$0x1] =	stream.indirect_vreg.gather [hbm4b:s6+s4], $0x80, v4, vm0, $0xb8;
	[tilespmem:$0x10100] =	vst v63  }
0x1d1: {  	s29 =	simm.s32 $0x5900  }
0x1d2: {  	[tilespmem:s29], [sflag:$0x1] =	stream.indirect_vreg.gather [hbm4b:s7+s4], $0x80, v4, vm0, $0xb8;
	[tilespmem:$0x10100] =	vst v63  }
0x1d3: {  	s14 =	simm.s32 $0x6100  }
0x1d4: {  	[tilespmem:s14], [sflag:$0x1] =	stream.indirect_vreg.gather [hbm4b:s1+s4], $0x80, v3, vm0, $0xb8;
	[tilespmem:$0x10100] =	vst v63  }
0x1d5: {  	s15 =	simm.s32 $0x6900  }
0x1d6: {  	[tilespmem:s15], [sflag:$0x1] =	stream.indirect_vreg.gather [hbm4b:s5+s4], $0x80, v3, vm0, $0xb8;
	[tilespmem:$0x10100] =	vst v63  }
0x1d7: {  	s16 =	simm.s32 $0x7100  }
0x1d8: {  	[tilespmem:s16], [sflag:$0x1] =	stream.indirect_vreg.gather [hbm4b:s6+s4], $0x80, v3, vm0, $0xb8;
	[tilespmem:$0x10100] =	vst v63  }
0x1d9: {  	s29 =	simm.s32 $0x7900  }
0x1da: {  	[tilespmem:s29], [sflag:$0x1] =	stream.indirect_vreg.gather [hbm4b:s7+s4], $0x80, v3, vm0, $0xb8;
	[tilespmem:$0x10100] =	vst v63  }
0x1db: {  	v3 =	vld [tilespmem:$0x80];
	_ =	sdelay $0x4  }
0x1dc: {  	v50 =	vshll.u32 v3, $0x3  }
0x1dd: {  	v3 =	vand.u32 $0x7, v3;
	v4 =	vand.u32 $0xFFFFFFC0, v50  }
0x1de: {  	v3 =	vor.u32 v3, v4  }
0x1df: {  	v4 =	vperm.xlane v3, v0;
	_ =	sdelay $0x1  }
0x1e0: {  	v4 =	vadd.s32 v1, v4;
	_ =	sdelay $0x4  }
0x1e1: {  	[tilespmem:s30], [sflag:$0x2] =	stream.indirect_vreg.gather [hbm4b:s2+s4], $0x80, v4, vm0, $0xb8;
	[tilespmem:$0x10100] =	vst v63  }
0x1e2: {  	s29 =	simm.s32 $0x8900;
	v3 =	vperm.xlane v3, v2  }
0x1e3: {  	[tilespmem:s29], [sflag:$0x2] =	stream.indirect_vreg.gather [hbm4b:s8+s4], $0x80, v4, vm0, $0xb8;
	[tilespmem:$0x10100] =	vst v63  }
0x1e4: {  	s17 =	simm.s32 $0x9100;
	v3 =	vadd.s32 v1, v3  }
0x1e5: {  	[tilespmem:s17], [sflag:$0x2] =	stream.indirect_vreg.gather [hbm4b:s9+s4], $0x80, v4, vm0, $0xb8;
	[tilespmem:$0x10100] =	vst v63  }
0x1e6: {  	s19 =	simm.s32 $0x9900  }
0x1e7: {  	[tilespmem:s19], [sflag:$0x2] =	stream.indirect_vreg.gather [hbm4b:s10+s4], $0x80, v4, vm0, $0xb8;
	[tilespmem:$0x10100] =	vst v63  }
0x1e8: {  	s24 =	simm.s32 $0xA100  }
0x1e9: {  	[tilespmem:s24], [sflag:$0x2] =	stream.indirect_vreg.gather [hbm4b:s2+s4], $0x80, v3, vm0, $0xb8;
	[tilespmem:$0x10100] =	vst v63  }
0x1ea: {  	s29 =	simm.s32 $0xA900  }
0x1eb: {  	[tilespmem:s29], [sflag:$0x2] =	stream.indirect_vreg.gather [hbm4b:s8+s4], $0x80, v3, vm0, $0xb8;
	[tilespmem:$0x10100] =	vst v63  }
0x1ec: {  	s29 =	simm.s32 $0xB100  }
0x1ed: {  	[tilespmem:s29], [sflag:$0x2] =	stream.indirect_vreg.gather [hbm4b:s9+s4], $0x80, v3, vm0, $0xb8;
	[tilespmem:$0x10100] =	vst v63  }
0x1ee: {  	s29 =	simm.s32 $0xB900  }
0x1ef: {  	[tilespmem:s29], [sflag:$0x2] =	stream.indirect_vreg.gather [hbm4b:s10+s4], $0x80, v3, vm0, $0xb8;
	[tilespmem:$0x10100] =	vst v63  }
0x1f0: {  	v3 =	vld [tilespmem:$0x90];
	_ =	sdelay $0x4  }
0x1f1: {  	v51 =	vshll.u32 v3, $0x3  }
0x1f2: {  	v3 =	vand.u32 $0x7, v3;
	v4 =	vand.u32 $0xFFFFFFC0, v51  }
0x1f3: {  	v3 =	vor.u32 v3, v4  }
0x1f4: {  	v4 =	vperm.xlane v3, v0;
	_ =	sdelay $0x1  }
0x1f5: {  	v4 =	vadd.s32 v1, v4;
	_ =	sdelay $0x3  }
0x1f6: {  	s29 =	simm.s32 $0xC100  }
0x1f7: {  	[tilespmem:s29], [sflag:$0x2] =	stream.indirect_vreg.gather [hbm4b:s2+s4], $0x80, v4, vm0, $0xb8;
	[tilespmem:$0x10100] =	vst v63  }
0x1f8: {  	v3 =	vperm.xlane v3, v2;
	s29 =	simm.s32 $0xC900  }
0x1f9: {  	[tilespmem:s29], [sflag:$0x2] =	stream.indirect_vreg.gather [hbm4b:s8+s4], $0x80, v4, vm0, $0xb8;
	[tilespmem:$0x10100] =	vst v63  }
0x1fa: {  	s20 =	simm.s32 $0xD100;
	v3 =	vadd.s32 v1, v3  }
0x1fb: {  	[tilespmem:s20], [sflag:$0x2] =	stream.indirect_vreg.gather [hbm4b:s9+s4], $0x80, v4, vm0, $0xb8;
	[tilespmem:$0x10100] =	vst v63  }
0x1fc: {  	s21 =	simm.s32 $0xD900  }
0x1fd: {  	[tilespmem:s21], [sflag:$0x2] =	stream.indirect_vreg.gather [hbm4b:s10+s4], $0x80, v4, vm0, $0xb8;
	[tilespmem:$0x10100] =	vst v63  }
0x1fe: {  	s22 =	simm.s32 $0xE100  }
0x1ff: {  	[tilespmem:s22], [sflag:$0x2] =	stream.indirect_vreg.gather [hbm4b:s2+s4], $0x80, v3, vm0, $0xb8;
	[tilespmem:$0x10100] =	vst v63  }
0x200: {  	s29 =	simm.s32 $0xE900  }
0x201: {  	[tilespmem:s29], [sflag:$0x2] =	stream.indirect_vreg.gather [hbm4b:s8+s4], $0x80, v3, vm0, $0xb8;
	[tilespmem:$0x10100] =	vst v63  }
0x202: {  	s29 =	simm.s32 $0xF100  }
0x203: {  	[tilespmem:s29], [sflag:$0x2] =	stream.indirect_vreg.gather [hbm4b:s9+s4], $0x80, v3, vm0, $0xb8;
	[tilespmem:$0x10100] =	vst v63  }
0x204: {  	s23 =	simm.s32 $0xF900  }
0x205: {  	[tilespmem:s23], [sflag:$0x2] =	stream.indirect_vreg.gather [hbm4b:s10+s4], $0x80, v3, vm0, $0xb8;
	[tilespmem:$0x10100] =	vst v63  }
0x206: {  	_ =	swait.ge [sflag:s26], $0x8000  }
0x207: {  	[sflag:s26] =	ssyncset.done $0x0  }
0x208: {  	s29 =	rddreg [dreg:$0xf];
	[sflag:s26] =	ssyncadd.s32 $0xFFFF8000  }
0x209: {  	[hbm4b:s29+s4] =	stream.linear.scatter [tilespmem:s13], [sflag:$0x3], $0x8000, $0x38;
	[tilespmem:$0x10100] =	vst v63  }
0x20a: {  	_ =	swait.ge [sflag:s12], $0x8000  }
0x20b: {  	[sflag:s12] =	ssyncset.done $0x0  }
0x20c: {  	[sflag:s12] =	ssyncadd.s32 $0xFFFF8000  }
0x20d: {  	_ =	swait.ge [sflag:s28], $0x8000  }
0x20e: {  	[sflag:s28] =	ssyncset.done $0x0  }
0x20f: {  	s29 =	rddreg [dreg:$0x10];
	[sflag:s28] =	ssyncadd.s32 $0xFFFF8000  }
0x210: {  	[hbm4b:s29+s4] =	stream.linear.scatter [tilespmem:s30], [sflag:$0x3], $0x8000, $0x38;
	[tilespmem:$0x10100] =	vst v63  }
0x211: {  	_ =	swait.ge [sflag:s12], $0x8000  }
0x212: {  	[sflag:s12] =	ssyncset.done $0x0  }
0x213: {  	[sflag:s12] =	ssyncadd.s32 $0xFFFF8000  }
0x214: {  	v3 =	vld [tilespmem:$0xA0];
	_ =	sdelay $0x4  }
0x215: {  	v52 =	vshll.u32 v3, $0x3  }
0x216: {  	v3 =	vand.u32 $0x7, v3;
	v4 =	vand.u32 $0xFFFFFFC0, v52  }
0x217: {  	v3 =	vor.u32 v3, v4  }
0x218: {  	v4 =	vperm.xlane v3, v0;
	_ =	sdelay $0x1  }
0x219: {  	v4 =	vadd.s32 v1, v4;
	_ =	sdelay $0x4  }
0x21a: {  	[tilespmem:s13], [sflag:$0x1] =	stream.indirect_vreg.gather [hbm4b:s1+s4], $0x80, v4, vm0, $0xb8;
	[tilespmem:$0x10100] =	vst v63  }
0x21b: {  	s29 =	simm.s32 $0x900;
	v3 =	vperm.xlane v3, v2  }
0x21c: {  	[tilespmem:s29], [sflag:$0x1] =	stream.indirect_vreg.gather [hbm4b:s5+s4], $0x80, v4, vm0, $0xb8;
	[tilespmem:$0x10100] =	vst v63  }
0x21d: {  	v3 =	vadd.s32 v1, v3;
	s29 =	simm.s32 $0x1100  }
0x21e: {  	[tilespmem:s29], [sflag:$0x1] =	stream.indirect_vreg.gather [hbm4b:s6+s4], $0x80, v4, vm0, $0xb8;
	[tilespmem:$0x10100] =	vst v63  }
0x21f: {  	s0 =	simm.s32 $0x1900  }
0x220: {  	[tilespmem:s0], [sflag:$0x1] =	stream.indirect_vreg.gather [hbm4b:s7+s4], $0x80, v4, vm0, $0xb8;
	[tilespmem:$0x10100] =	vst v63  }
0x221: {  	s3 =	simm.s32 $0x2100  }
0x222: {  	[tilespmem:s3], [sflag:$0x1] =	stream.indirect_vreg.gather [hbm4b:s1+s4], $0x80, v3, vm0, $0xb8;
	[tilespmem:$0x10100] =	vst v63  }
0x223: {  	s11 =	simm.s32 $0x2900  }
0x224: {  	[tilespmem:s11], [sflag:$0x1] =	stream.indirect_vreg.gather [hbm4b:s5+s4], $0x80, v3, vm0, $0xb8;
	[tilespmem:$0x10100] =	vst v63  }
0x225: {  	s25 =	simm.s32 $0x3100  }
0x226: {  	[tilespmem:s25], [sflag:$0x1] =	stream.indirect_vreg.gather [hbm4b:s6+s4], $0x80, v3, vm0, $0xb8;
	[tilespmem:$0x10100] =	vst v63  }
0x227: {  	s29 =	simm.s32 $0x3900  }
0x228: {  	[tilespmem:s29], [sflag:$0x1] =	stream.indirect_vreg.gather [hbm4b:s7+s4], $0x80, v3, vm0, $0xb8;
	[tilespmem:$0x10100] =	vst v63  }
0x229: {  	v3 =	vld [tilespmem:$0xB0];
	_ =	sdelay $0x4  }
0x22a: {  	v53 =	vshll.u32 v3, $0x3  }
0x22b: {  	v3 =	vand.u32 $0x7, v3;
	v4 =	vand.u32 $0xFFFFFFC0, v53  }
0x22c: {  	v3 =	vor.u32 v3, v4  }
0x22d: {  	v4 =	vperm.xlane v3, v0;
	_ =	sdelay $0x1  }
0x22e: {  	v4 =	vadd.s32 v1, v4;
	_ =	sdelay $0x3  }
0x22f: {  	s29 =	simm.s32 $0x4100  }
0x230: {  	[tilespmem:s29], [sflag:$0x1] =	stream.indirect_vreg.gather [hbm4b:s1+s4], $0x80, v4, vm0, $0xb8;
	[tilespmem:$0x10100] =	vst v63  }
0x231: {  	v3 =	vperm.xlane v3, v2;
	s29 =	simm.s32 $0x4900  }
0x232: {  	[tilespmem:s29], [sflag:$0x1] =	stream.indirect_vreg.gather [hbm4b:s5+s4], $0x80, v4, vm0, $0xb8;
	[tilespmem:$0x10100] =	vst v63  }
0x233: {  	s31 =	simm.s32 $0x5100;
	v3 =	vadd.s32 v1, v3  }
0x234: {  	[tilespmem:s31], [sflag:$0x1] =	stream.indirect_vreg.gather [hbm4b:s6+s4], $0x80, v4, vm0, $0xb8;
	[tilespmem:$0x10100] =	vst v63  }
0x235: {  	s29 =	simm.s32 $0x5900  }
0x236: {  	[tilespmem:s29], [sflag:$0x1] =	stream.indirect_vreg.gather [hbm4b:s7+s4], $0x80, v4, vm0, $0xb8;
	[tilespmem:$0x10100] =	vst v63  }
0x237: {  	s14 =	simm.s32 $0x6100  }
0x238: {  	[tilespmem:s14], [sflag:$0x1] =	stream.indirect_vreg.gather [hbm4b:s1+s4], $0x80, v3, vm0, $0xb8;
	[tilespmem:$0x10100] =	vst v63  }
0x239: {  	s15 =	simm.s32 $0x6900  }
0x23a: {  	[tilespmem:s15], [sflag:$0x1] =	stream.indirect_vreg.gather [hbm4b:s5+s4], $0x80, v3, vm0, $0xb8;
	[tilespmem:$0x10100] =	vst v63  }
0x23b: {  	s16 =	simm.s32 $0x7100  }
0x23c: {  	[tilespmem:s16], [sflag:$0x1] =	stream.indirect_vreg.gather [hbm4b:s6+s4], $0x80, v3, vm0, $0xb8;
	[tilespmem:$0x10100] =	vst v63  }
0x23d: {  	s29 =	simm.s32 $0x7900  }
0x23e: {  	[tilespmem:s29], [sflag:$0x1] =	stream.indirect_vreg.gather [hbm4b:s7+s4], $0x80, v3, vm0, $0xb8;
	[tilespmem:$0x10100] =	vst v63  }
0x23f: {  	v3 =	vld [tilespmem:$0xA0];
	_ =	sdelay $0x4  }
0x240: {  	v54 =	vshll.u32 v3, $0x3  }
0x241: {  	v3 =	vand.u32 $0x7, v3;
	v4 =	vand.u32 $0xFFFFFFC0, v54  }
0x242: {  	v3 =	vor.u32 v3, v4  }
0x243: {  	v4 =	vperm.xlane v3, v0;
	_ =	sdelay $0x1  }
0x244: {  	v4 =	vadd.s32 v1, v4;
	_ =	sdelay $0x4  }
0x245: {  	[tilespmem:s30], [sflag:$0x2] =	stream.indirect_vreg.gather [hbm4b:s2+s4], $0x80, v4, vm0, $0xb8;
	[tilespmem:$0x10100] =	vst v63  }
0x246: {  	s29 =	simm.s32 $0x8900;
	v3 =	vperm.xlane v3, v2  }
0x247: {  	[tilespmem:s29], [sflag:$0x2] =	stream.indirect_vreg.gather [hbm4b:s8+s4], $0x80, v4, vm0, $0xb8;
	[tilespmem:$0x10100] =	vst v63  }
0x248: {  	s17 =	simm.s32 $0x9100;
	v3 =	vadd.s32 v1, v3  }
0x249: {  	[tilespmem:s17], [sflag:$0x2] =	stream.indirect_vreg.gather [hbm4b:s9+s4], $0x80, v4, vm0, $0xb8;
	[tilespmem:$0x10100] =	vst v63  }
0x24a: {  	s19 =	simm.s32 $0x9900  }
0x24b: {  	[tilespmem:s19], [sflag:$0x2] =	stream.indirect_vreg.gather [hbm4b:s10+s4], $0x80, v4, vm0, $0xb8;
	[tilespmem:$0x10100] =	vst v63  }
0x24c: {  	s24 =	simm.s32 $0xA100  }
0x24d: {  	[tilespmem:s24], [sflag:$0x2] =	stream.indirect_vreg.gather [hbm4b:s2+s4], $0x80, v3, vm0, $0xb8;
	[tilespmem:$0x10100] =	vst v63  }
0x24e: {  	s29 =	simm.s32 $0xA900  }
0x24f: {  	[tilespmem:s29], [sflag:$0x2] =	stream.indirect_vreg.gather [hbm4b:s8+s4], $0x80, v3, vm0, $0xb8;
	[tilespmem:$0x10100] =	vst v63  }
0x250: {  	s29 =	simm.s32 $0xB100  }
0x251: {  	[tilespmem:s29], [sflag:$0x2] =	stream.indirect_vreg.gather [hbm4b:s9+s4], $0x80, v3, vm0, $0xb8;
	[tilespmem:$0x10100] =	vst v63  }
0x252: {  	s29 =	simm.s32 $0xB900  }
0x253: {  	[tilespmem:s29], [sflag:$0x2] =	stream.indirect_vreg.gather [hbm4b:s10+s4], $0x80, v3, vm0, $0xb8;
	[tilespmem:$0x10100] =	vst v63  }
0x254: {  	v3 =	vld [tilespmem:$0xB0];
	_ =	sdelay $0x4  }
0x255: {  	v55 =	vshll.u32 v3, $0x3  }
0x256: {  	v3 =	vand.u32 $0x7, v3;
	v4 =	vand.u32 $0xFFFFFFC0, v55  }
0x257: {  	v3 =	vor.u32 v3, v4  }
0x258: {  	v4 =	vperm.xlane v3, v0;
	_ =	sdelay $0x1  }
0x259: {  	v4 =	vadd.s32 v1, v4;
	_ =	sdelay $0x3  }
0x25a: {  	s29 =	simm.s32 $0xC100  }
0x25b: {  	[tilespmem:s29], [sflag:$0x2] =	stream.indirect_vreg.gather [hbm4b:s2+s4], $0x80, v4, vm0, $0xb8;
	[tilespmem:$0x10100] =	vst v63  }
0x25c: {  	v3 =	vperm.xlane v3, v2;
	s29 =	simm.s32 $0xC900  }
0x25d: {  	[tilespmem:s29], [sflag:$0x2] =	stream.indirect_vreg.gather [hbm4b:s8+s4], $0x80, v4, vm0, $0xb8;
	[tilespmem:$0x10100] =	vst v63  }
0x25e: {  	s20 =	simm.s32 $0xD100;
	v3 =	vadd.s32 v1, v3  }
0x25f: {  	[tilespmem:s20], [sflag:$0x2] =	stream.indirect_vreg.gather [hbm4b:s9+s4], $0x80, v4, vm0, $0xb8;
	[tilespmem:$0x10100] =	vst v63  }
0x260: {  	s21 =	simm.s32 $0xD900  }
0x261: {  	[tilespmem:s21], [sflag:$0x2] =	stream.indirect_vreg.gather [hbm4b:s10+s4], $0x80, v4, vm0, $0xb8;
	[tilespmem:$0x10100] =	vst v63  }
0x262: {  	s22 =	simm.s32 $0xE100  }
0x263: {  	[tilespmem:s22], [sflag:$0x2] =	stream.indirect_vreg.gather [hbm4b:s2+s4], $0x80, v3, vm0, $0xb8;
	[tilespmem:$0x10100] =	vst v63  }
0x264: {  	s20 =	simm.s32 $0xE900  }
0x265: {  	[tilespmem:s20], [sflag:$0x2] =	stream.indirect_vreg.gather [hbm4b:s8+s4], $0x80, v3, vm0, $0xb8;
	[tilespmem:$0x10100] =	vst v63  }
0x266: {  	s21 =	simm.s32 $0xF100  }
0x267: {  	[tilespmem:s21], [sflag:$0x2] =	stream.indirect_vreg.gather [hbm4b:s9+s4], $0x80, v3, vm0, $0xb8;
	[tilespmem:$0x10100] =	vst v63  }
0x268: {  	s23 =	simm.s32 $0xF900  }
0x269: {  	[tilespmem:s23], [sflag:$0x2] =	stream.indirect_vreg.gather [hbm4b:s10+s4], $0x80, v3, vm0, $0xb8;
	[tilespmem:$0x10100] =	vst v63  }
0x26a: {  	_ =	swait.ge [sflag:s26], $0x8000  }
0x26b: {  	[sflag:s26] =	ssyncset.done $0x0  }
0x26c: {  	s22 =	rddreg [dreg:$0x11];
	[sflag:s26] =	ssyncadd.s32 $0xFFFF8000  }
0x26d: {  	[hbm4b:s22+s4] =	stream.linear.scatter [tilespmem:s13], [sflag:$0x3], $0x8000, $0x38;
	[tilespmem:$0x10100] =	vst v63  }
0x26e: {  	_ =	swait.ge [sflag:s12], $0x8000  }
0x26f: {  	[sflag:s12] =	ssyncset.done $0x0  }
0x270: {  	[sflag:s12] =	ssyncadd.s32 $0xFFFF8000  }
0x271: {  	_ =	swait.ge [sflag:s28], $0x8000  }
0x272: {  	[sflag:s28] =	ssyncset.done $0x0  }
0x273: {  	s23 =	rddreg [dreg:$0x12];
	[sflag:s28] =	ssyncadd.s32 $0xFFFF8000  }
0x274: {  	[hbm4b:s23+s4] =	stream.linear.scatter [tilespmem:s30], [sflag:$0x3], $0x8000, $0x38;
	[tilespmem:$0x10100] =	vst v63  }
0x275: {  	_ =	swait.ge [sflag:s12], $0x8000  }
0x276: {  	[sflag:s12] =	ssyncset.done $0x0  }
0x277: {  	[sflag:s12] =	ssyncadd.s32 $0xFFFF8000  }
0x278: {  	v3 =	vld [tilespmem:$0xC0];
	_ =	sdelay $0x4  }
0x279: {  	v56 =	vshll.u32 v3, $0x3  }
0x27a: {  	v3 =	vand.u32 $0x7, v3;
	v4 =	vand.u32 $0xFFFFFFC0, v56  }
0x27b: {  	v3 =	vor.u32 v3, v4  }
0x27c: {  	v4 =	vperm.xlane v3, v0;
	_ =	sdelay $0x1  }
0x27d: {  	v4 =	vadd.s32 v1, v4;
	_ =	sdelay $0x4  }
0x27e: {  	[tilespmem:s13], [sflag:$0x1] =	stream.indirect_vreg.gather [hbm4b:s1+s4], $0x80, v4, vm0, $0xb8;
	[tilespmem:$0x10100] =	vst v63  }
0x27f: {  	s29 =	simm.s32 $0x900;
	v3 =	vperm.xlane v3, v2  }
0x280: {  	[tilespmem:s29], [sflag:$0x1] =	stream.indirect_vreg.gather [hbm4b:s5+s4], $0x80, v4, vm0, $0xb8;
	[tilespmem:$0x10100] =	vst v63  }
0x281: {  	s20 =	simm.s32 $0x1100;
	v3 =	vadd.s32 v1, v3  }
0x282: {  	[tilespmem:s20], [sflag:$0x1] =	stream.indirect_vreg.gather [hbm4b:s6+s4], $0x80, v4, vm0, $0xb8;
	[tilespmem:$0x10100] =	vst v63  }
0x283: {  	s0 =	simm.s32 $0x1900  }
0x284: {  	[tilespmem:s0], [sflag:$0x1] =	stream.indirect_vreg.gather [hbm4b:s7+s4], $0x80, v4, vm0, $0xb8;
	[tilespmem:$0x10100] =	vst v63  }
0x285: {  	s3 =	simm.s32 $0x2100  }
0x286: {  	[tilespmem:s3], [sflag:$0x1] =	stream.indirect_vreg.gather [hbm4b:s1+s4], $0x80, v3, vm0, $0xb8;
	[tilespmem:$0x10100] =	vst v63  }
0x287: {  	s21 =	simm.s32 $0x2900  }
0x288: {  	[tilespmem:s21], [sflag:$0x1] =	stream.indirect_vreg.gather [hbm4b:s5+s4], $0x80, v3, vm0, $0xb8;
	[tilespmem:$0x10100] =	vst v63  }
0x289: {  	s25 =	simm.s32 $0x3100  }
0x28a: {  	[tilespmem:s25], [sflag:$0x1] =	stream.indirect_vreg.gather [hbm4b:s6+s4], $0x80, v3, vm0, $0xb8;
	[tilespmem:$0x10100] =	vst v63  }
0x28b: {  	s22 =	simm.s32 $0x3900  }
0x28c: {  	[tilespmem:s22], [sflag:$0x1] =	stream.indirect_vreg.gather [hbm4b:s7+s4], $0x80, v3, vm0, $0xb8;
	[tilespmem:$0x10100] =	vst v63  }
0x28d: {  	v3 =	vld [tilespmem:$0xD0];
	_ =	sdelay $0x4  }
0x28e: {  	v57 =	vshll.u32 v3, $0x3  }
0x28f: {  	v3 =	vand.u32 $0x7, v3;
	v4 =	vand.u32 $0xFFFFFFC0, v57  }
0x290: {  	v3 =	vor.u32 v3, v4  }
0x291: {  	v4 =	vperm.xlane v3, v0;
	_ =	sdelay $0x1  }
0x292: {  	v4 =	vadd.s32 v1, v4;
	_ =	sdelay $0x3  }
0x293: {  	s25 =	simm.s32 $0x4100  }
0x294: {  	[tilespmem:s25], [sflag:$0x1] =	stream.indirect_vreg.gather [hbm4b:s1+s4], $0x80, v4, vm0, $0xb8;
	[tilespmem:$0x10100] =	vst v63  }
0x295: {  	s29 =	simm.s32 $0x4900;
	v3 =	vperm.xlane v3, v2  }
0x296: {  	[tilespmem:s29], [sflag:$0x1] =	stream.indirect_vreg.gather [hbm4b:s5+s4], $0x80, v4, vm0, $0xb8;
	[tilespmem:$0x10100] =	vst v63  }
0x297: {  	s31 =	simm.s32 $0x5100;
	v3 =	vadd.s32 v1, v3  }
0x298: {  	[tilespmem:s31], [sflag:$0x1] =	stream.indirect_vreg.gather [hbm4b:s6+s4], $0x80, v4, vm0, $0xb8;
	[tilespmem:$0x10100] =	vst v63  }
0x299: {  	s31 =	simm.s32 $0x5900  }
0x29a: {  	[tilespmem:s31], [sflag:$0x1] =	stream.indirect_vreg.gather [hbm4b:s7+s4], $0x80, v4, vm0, $0xb8;
	[tilespmem:$0x10100] =	vst v63  }
0x29b: {  	s14 =	simm.s32 $0x6100  }
0x29c: {  	[tilespmem:s14], [sflag:$0x1] =	stream.indirect_vreg.gather [hbm4b:s1+s4], $0x80, v3, vm0, $0xb8;
	[tilespmem:$0x10100] =	vst v63  }
0x29d: {  	s15 =	simm.s32 $0x6900  }
0x29e: {  	[tilespmem:s15], [sflag:$0x1] =	stream.indirect_vreg.gather [hbm4b:s5+s4], $0x80, v3, vm0, $0xb8;
	[tilespmem:$0x10100] =	vst v63  }
0x29f: {  	s16 =	simm.s32 $0x7100  }
0x2a0: {  	[tilespmem:s16], [sflag:$0x1] =	stream.indirect_vreg.gather [hbm4b:s6+s4], $0x80, v3, vm0, $0xb8;
	[tilespmem:$0x10100] =	vst v63  }
0x2a1: {  	s22 =	simm.s32 $0x7900  }
0x2a2: {  	[tilespmem:s22], [sflag:$0x1] =	stream.indirect_vreg.gather [hbm4b:s7+s4], $0x80, v3, vm0, $0xb8;
	[tilespmem:$0x10100] =	vst v63  }
0x2a3: {  	v3 =	vld [tilespmem:$0xC0];
	_ =	sdelay $0x4  }
0x2a4: {  	v58 =	vshll.u32 v3, $0x3  }
0x2a5: {  	v3 =	vand.u32 $0x7, v3;
	v4 =	vand.u32 $0xFFFFFFC0, v58  }
0x2a6: {  	v3 =	vor.u32 v3, v4  }
0x2a7: {  	v4 =	vperm.xlane v3, v0;
	_ =	sdelay $0x1  }
0x2a8: {  	v4 =	vadd.s32 v1, v4;
	_ =	sdelay $0x4  }
0x2a9: {  	[tilespmem:s30], [sflag:$0x2] =	stream.indirect_vreg.gather [hbm4b:s2+s4], $0x80, v4, vm0, $0xb8;
	[tilespmem:$0x10100] =	vst v63  }
0x2aa: {  	s29 =	simm.s32 $0x8900;
	v3 =	vperm.xlane v3, v2  }
0x2ab: {  	[tilespmem:s29], [sflag:$0x2] =	stream.indirect_vreg.gather [hbm4b:s8+s4], $0x80, v4, vm0, $0xb8;
	[tilespmem:$0x10100] =	vst v63  }
0x2ac: {  	s17 =	simm.s32 $0x9100;
	v3 =	vadd.s32 v1, v3  }
0x2ad: {  	[tilespmem:s17], [sflag:$0x2] =	stream.indirect_vreg.gather [hbm4b:s9+s4], $0x80, v4, vm0, $0xb8;
	[tilespmem:$0x10100] =	vst v63  }
0x2ae: {  	s19 =	simm.s32 $0x9900  }
0x2af: {  	[tilespmem:s19], [sflag:$0x2] =	stream.indirect_vreg.gather [hbm4b:s10+s4], $0x80, v4, vm0, $0xb8;
	[tilespmem:$0x10100] =	vst v63  }
0x2b0: {  	s24 =	simm.s32 $0xA100  }
0x2b1: {  	[tilespmem:s24], [sflag:$0x2] =	stream.indirect_vreg.gather [hbm4b:s2+s4], $0x80, v3, vm0, $0xb8;
	[tilespmem:$0x10100] =	vst v63  }
0x2b2: {  	s22 =	simm.s32 $0xA900  }
0x2b3: {  	[tilespmem:s22], [sflag:$0x2] =	stream.indirect_vreg.gather [hbm4b:s8+s4], $0x80, v3, vm0, $0xb8;
	[tilespmem:$0x10100] =	vst v63  }
0x2b4: {  	s29 =	simm.s32 $0xB100  }
0x2b5: {  	[tilespmem:s29], [sflag:$0x2] =	stream.indirect_vreg.gather [hbm4b:s9+s4], $0x80, v3, vm0, $0xb8;
	[tilespmem:$0x10100] =	vst v63  }
0x2b6: {  	s29 =	simm.s32 $0xB900  }
0x2b7: {  	[tilespmem:s29], [sflag:$0x2] =	stream.indirect_vreg.gather [hbm4b:s10+s4], $0x80, v3, vm0, $0xb8;
	[tilespmem:$0x10100] =	vst v63  }
0x2b8: {  	v3 =	vld [tilespmem:$0xD0];
	_ =	sdelay $0x4  }
0x2b9: {  	v59 =	vshll.u32 v3, $0x3  }
0x2ba: {  	v3 =	vand.u32 $0x7, v3;
	v4 =	vand.u32 $0xFFFFFFC0, v59  }
0x2bb: {  	v3 =	vor.u32 v3, v4  }
0x2bc: {  	v4 =	vperm.xlane v3, v0;
	_ =	sdelay $0x1  }
0x2bd: {  	v4 =	vadd.s32 v1, v4;
	_ =	sdelay $0x3  }
0x2be: {  	s29 =	simm.s32 $0xC100  }
0x2bf: {  	[tilespmem:s29], [sflag:$0x2] =	stream.indirect_vreg.gather [hbm4b:s2+s4], $0x80, v4, vm0, $0xb8;
	[tilespmem:$0x10100] =	vst v63  }
0x2c0: {  	v3 =	vperm.xlane v3, v2;
	s29 =	simm.s32 $0xC900  }
0x2c1: {  	[tilespmem:s29], [sflag:$0x2] =	stream.indirect_vreg.gather [hbm4b:s8+s4], $0x80, v4, vm0, $0xb8;
	[tilespmem:$0x10100] =	vst v63  }
0x2c2: {  	v3 =	vadd.s32 v1, v3;
	s29 =	simm.s32 $0xD100  }
0x2c3: {  	[tilespmem:s29], [sflag:$0x2] =	stream.indirect_vreg.gather [hbm4b:s9+s4], $0x80, v4, vm0, $0xb8;
	[tilespmem:$0x10100] =	vst v63  }
0x2c4: {  	s29 =	simm.s32 $0xD900  }
0x2c5: {  	[tilespmem:s29], [sflag:$0x2] =	stream.indirect_vreg.gather [hbm4b:s10+s4], $0x80, v4, vm0, $0xb8;
	[tilespmem:$0x10100] =	vst v63  }
0x2c6: {  	s29 =	simm.s32 $0xE100  }
0x2c7: {  	[tilespmem:s29], [sflag:$0x2] =	stream.indirect_vreg.gather [hbm4b:s2+s4], $0x80, v3, vm0, $0xb8;
	[tilespmem:$0x10100] =	vst v63  }
0x2c8: {  	s29 =	simm.s32 $0xE900  }
0x2c9: {  	[tilespmem:s29], [sflag:$0x2] =	stream.indirect_vreg.gather [hbm4b:s8+s4], $0x80, v3, vm0, $0xb8;
	[tilespmem:$0x10100] =	vst v63  }
0x2ca: {  	s29 =	simm.s32 $0xF100  }
0x2cb: {  	[tilespmem:s29], [sflag:$0x2] =	stream.indirect_vreg.gather [hbm4b:s9+s4], $0x80, v3, vm0, $0xb8;
	[tilespmem:$0x10100] =	vst v63  }
0x2cc: {  	s29 =	simm.s32 $0xF900  }
0x2cd: {  	[tilespmem:s29], [sflag:$0x2] =	stream.indirect_vreg.gather [hbm4b:s10+s4], $0x80, v3, vm0, $0xb8;
	[tilespmem:$0x10100] =	vst v63  }
0x2ce: {  	_ =	swait.ge [sflag:s26], $0x8000  }
0x2cf: {  	[sflag:s26] =	ssyncset.done $0x0  }
0x2d0: {  	s29 =	rddreg [dreg:$0x13];
	[sflag:s26] =	ssyncadd.s32 $0xFFFF8000  }
0x2d1: {  	[hbm4b:s29+s4] =	stream.linear.scatter [tilespmem:s13], [sflag:$0x3], $0x8000, $0x38;
	[tilespmem:$0x10100] =	vst v63  }
0x2d2: {  	_ =	swait.ge [sflag:s12], $0x8000  }
0x2d3: {  	[sflag:s12] =	ssyncset.done $0x0  }
0x2d4: {  	[sflag:s12] =	ssyncadd.s32 $0xFFFF8000  }
0x2d5: {  	_ =	swait.ge [sflag:s28], $0x8000  }
0x2d6: {  	[sflag:s28] =	ssyncset.done $0x0  }
0x2d7: {  	s29 =	rddreg [dreg:$0x14];
	[sflag:s28] =	ssyncadd.s32 $0xFFFF8000  }
0x2d8: {  	[hbm4b:s29+s4] =	stream.linear.scatter [tilespmem:s30], [sflag:$0x3], $0x8000, $0x38;
	[tilespmem:$0x10100] =	vst v63  }
0x2d9: {  	_ =	swait.ge [sflag:s12], $0x8000  }
0x2da: {  	[sflag:s12] =	ssyncset.done $0x0  }
0x2db: {  	[sflag:s12] =	ssyncadd.s32 $0xFFFF8000  }
0x2dc: {  	v3 =	vld [tilespmem:$0xE0];
	_ =	sdelay $0x4  }
0x2dd: {  	v60 =	vshll.u32 v3, $0x3  }
0x2de: {  	v3 =	vand.u32 $0x7, v3;
	v4 =	vand.u32 $0xFFFFFFC0, v60  }
0x2df: {  	v3 =	vor.u32 v3, v4  }
0x2e0: {  	v4 =	vperm.xlane v3, v0;
	_ =	sdelay $0x1  }
0x2e1: {  	v4 =	vadd.s32 v1, v4;
	_ =	sdelay $0x4  }
0x2e2: {  	[tilespmem:s13], [sflag:$0x1] =	stream.indirect_vreg.gather [hbm4b:s1+s4], $0x80, v4, vm0, $0xb8;
	[tilespmem:$0x10100] =	vst v63  }
0x2e3: {  	s29 =	simm.s32 $0x900;
	v3 =	vperm.xlane v3, v2  }
0x2e4: {  	[tilespmem:s29], [sflag:$0x1] =	stream.indirect_vreg.gather [hbm4b:s5+s4], $0x80, v4, vm0, $0xb8;
	[tilespmem:$0x10100] =	vst v63  }
0x2e5: {  	s11 =	simm.s32 $0x1100;
	v3 =	vadd.s32 v1, v3  }
0x2e6: {  	[tilespmem:s11], [sflag:$0x1] =	stream.indirect_vreg.gather [hbm4b:s6+s4], $0x80, v4, vm0, $0xb8;
	[tilespmem:$0x10100] =	vst v63  }
0x2e7: {  	s23 =	simm.s32 $0x1900  }
0x2e8: {  	[tilespmem:s23], [sflag:$0x1] =	stream.indirect_vreg.gather [hbm4b:s7+s4], $0x80, v4, vm0, $0xb8;
	[tilespmem:$0x10100] =	vst v63  }
0x2e9: {  	s0 =	simm.s32 $0x2100  }
0x2ea: {  	[tilespmem:s0], [sflag:$0x1] =	stream.indirect_vreg.gather [hbm4b:s1+s4], $0x80, v3, vm0, $0xb8;
	[tilespmem:$0x10100] =	vst v63  }
0x2eb: {  	s3 =	simm.s32 $0x2900  }
0x2ec: {  	[tilespmem:s3], [sflag:$0x1] =	stream.indirect_vreg.gather [hbm4b:s5+s4], $0x80, v3, vm0, $0xb8;
	[tilespmem:$0x10100] =	vst v63  }
0x2ed: {  	s21 =	simm.s32 $0x3100  }
0x2ee: {  	[tilespmem:s21], [sflag:$0x1] =	stream.indirect_vreg.gather [hbm4b:s6+s4], $0x80, v3, vm0, $0xb8;
	[tilespmem:$0x10100] =	vst v63  }
0x2ef: {  	s23 =	simm.s32 $0x3900  }
0x2f0: {  	[tilespmem:s23], [sflag:$0x1] =	stream.indirect_vreg.gather [hbm4b:s7+s4], $0x80, v3, vm0, $0xb8;
	[tilespmem:$0x10100] =	vst v63  }
0x2f1: {  	v3 =	vld [tilespmem:$0xF0];
	_ =	sdelay $0x4  }
0x2f2: {  	v61 =	vshll.u32 v3, $0x3  }
0x2f3: {  	v3 =	vand.u32 $0x7, v3;
	v4 =	vand.u32 $0xFFFFFFC0, v61  }
0x2f4: {  	v3 =	vor.u32 v3, v4  }
0x2f5: {  	v4 =	vperm.xlane v3, v0;
	_ =	sdelay $0x1  }
0x2f6: {  	v4 =	vadd.s32 v1, v4;
	_ =	sdelay $0x3  }
0x2f7: {  	s29 =	simm.s32 $0x4100  }
0x2f8: {  	[tilespmem:s29], [sflag:$0x1] =	stream.indirect_vreg.gather [hbm4b:s1+s4], $0x80, v4, vm0, $0xb8;
	[tilespmem:$0x10100] =	vst v63  }
0x2f9: {  	s3 =	simm.s32 $0x4900;
	v3 =	vperm.xlane v3, v2  }
0x2fa: {  	[tilespmem:s3], [sflag:$0x1] =	stream.indirect_vreg.gather [hbm4b:s5+s4], $0x80, v4, vm0, $0xb8;
	[tilespmem:$0x10100] =	vst v63  }
0x2fb: {  	s25 =	simm.s32 $0x5100;
	v3 =	vadd.s32 v1, v3  }
0x2fc: {  	[tilespmem:s25], [sflag:$0x1] =	stream.indirect_vreg.gather [hbm4b:s6+s4], $0x80, v4, vm0, $0xb8;
	[tilespmem:$0x10100] =	vst v63  }
0x2fd: {  	s31 =	simm.s32 $0x5900  }
0x2fe: {  	[tilespmem:s31], [sflag:$0x1] =	stream.indirect_vreg.gather [hbm4b:s7+s4], $0x80, v4, vm0, $0xb8;
	[tilespmem:$0x10100] =	vst v63  }
0x2ff: {  	s14 =	simm.s32 $0x6100  }
0x300: {  	[tilespmem:s14], [sflag:$0x1] =	stream.indirect_vreg.gather [hbm4b:s1+s4], $0x80, v3, vm0, $0xb8;
	[tilespmem:$0x10100] =	vst v63  }
0x301: {  	s15 =	simm.s32 $0x6900  }
0x302: {  	[tilespmem:s15], [sflag:$0x1] =	stream.indirect_vreg.gather [hbm4b:s5+s4], $0x80, v3, vm0, $0xb8;
	[tilespmem:$0x10100] =	vst v63  }
0x303: {  	s16 =	simm.s32 $0x7100  }
0x304: {  	[tilespmem:s16], [sflag:$0x1] =	stream.indirect_vreg.gather [hbm4b:s6+s4], $0x80, v3, vm0, $0xb8;
	[tilespmem:$0x10100] =	vst v63  }
0x305: {  	s11 =	simm.s32 $0x7900  }
0x306: {  	[tilespmem:s11], [sflag:$0x1] =	stream.indirect_vreg.gather [hbm4b:s7+s4], $0x80, v3, vm0, $0xb8;
	[tilespmem:$0x10100] =	vst v63  }
0x307: {  	v3 =	vld [tilespmem:$0xE0];
	_ =	sdelay $0x4  }
0x308: {  	v62 =	vshll.u32 v3, $0x3  }
0x309: {  	v3 =	vand.u32 $0x7, v3;
	v4 =	vand.u32 $0xFFFFFFC0, v62  }
0x30a: {  	v3 =	vor.u32 v3, v4  }
0x30b: {  	v4 =	vperm.xlane v3, v0;
	_ =	sdelay $0x1  }
0x30c: {  	v4 =	vadd.s32 v1, v4;
	_ =	sdelay $0x4  }
0x30d: {  	[tilespmem:s30], [sflag:$0x2] =	stream.indirect_vreg.gather [hbm4b:s2+s4], $0x80, v4, vm0, $0xb8;
	[tilespmem:$0x10100] =	vst v63  }
0x30e: {  	s14 =	simm.s32 $0x8900;
	v3 =	vperm.xlane v3, v2  }
0x30f: {  	[tilespmem:s14], [sflag:$0x2] =	stream.indirect_vreg.gather [hbm4b:s8+s4], $0x80, v4, vm0, $0xb8;
	[tilespmem:$0x10100] =	vst v63  }
0x310: {  	s17 =	simm.s32 $0x9100;
	v3 =	vadd.s32 v1, v3  }
0x311: {  	[tilespmem:s17], [sflag:$0x2] =	stream.indirect_vreg.gather [hbm4b:s9+s4], $0x80, v4, vm0, $0xb8;
	[tilespmem:$0x10100] =	vst v63  }
0x312: {  	s19 =	simm.s32 $0x9900  }
0x313: {  	[tilespmem:s19], [sflag:$0x2] =	stream.indirect_vreg.gather [hbm4b:s10+s4], $0x80, v4, vm0, $0xb8;
	[tilespmem:$0x10100] =	vst v63  }
0x314: {  	s20 =	simm.s32 $0xA100  }
0x315: {  	[tilespmem:s20], [sflag:$0x2] =	stream.indirect_vreg.gather [hbm4b:s2+s4], $0x80, v3, vm0, $0xb8;
	[tilespmem:$0x10100] =	vst v63  }
0x316: {  	s24 =	simm.s32 $0xA900  }
0x317: {  	[tilespmem:s24], [sflag:$0x2] =	stream.indirect_vreg.gather [hbm4b:s8+s4], $0x80, v3, vm0, $0xb8;
	[tilespmem:$0x10100] =	vst v63  }
0x318: {  	s22 =	simm.s32 $0xB100  }
0x319: {  	[tilespmem:s22], [sflag:$0x2] =	stream.indirect_vreg.gather [hbm4b:s9+s4], $0x80, v3, vm0, $0xb8;
	[tilespmem:$0x10100] =	vst v63  }
0x31a: {  	s15 =	simm.s32 $0xB900  }
0x31b: {  	[tilespmem:s15], [sflag:$0x2] =	stream.indirect_vreg.gather [hbm4b:s10+s4], $0x80, v3, vm0, $0xb8;
	[tilespmem:$0x10100] =	vst v63  }
0x31c: {  	v3 =	vld [tilespmem:$0xF0];
	_ =	sdelay $0x4  }
0x31d: {  	v63 =	vshll.u32 v3, $0x3  }
0x31e: {  	v3 =	vand.u32 $0x7, v3;
	v4 =	vand.u32 $0xFFFFFFC0, v63  }
0x31f: {  	v3 =	vor.u32 v3, v4  }
0x320: {  	v4 =	vperm.xlane v3, v0;
	_ =	sdelay $0x1  }
0x321: {  	v4 =	vadd.s32 v1, v4;
	_ =	sdelay $0x3  }
0x322: {  	s16 =	simm.s32 $0xC100  }
0x323: {  	[tilespmem:s16], [sflag:$0x2] =	stream.indirect_vreg.gather [hbm4b:s2+s4], $0x80, v4, vm0, $0xb8;
	[tilespmem:$0x10100] =	vst v63  }
0x324: {  	s17 =	simm.s32 $0xC900;
	v3 =	vperm.xlane v3, v2  }
0x325: {  	[tilespmem:s17], [sflag:$0x2] =	stream.indirect_vreg.gather [hbm4b:s8+s4], $0x80, v4, vm0, $0xb8;
	[tilespmem:$0x10100] =	vst v63  }
0x326: {  	s19 =	simm.s32 $0xD100;
	v3 =	vadd.s32 v1, v3  }
0x327: {  	[tilespmem:s19], [sflag:$0x2] =	stream.indirect_vreg.gather [hbm4b:s9+s4], $0x80, v4, vm0, $0xb8;
	[tilespmem:$0x10100] =	vst v63  }
0x328: {  	s20 =	simm.s32 $0xD900  }
0x329: {  	[tilespmem:s20], [sflag:$0x2] =	stream.indirect_vreg.gather [hbm4b:s10+s4], $0x80, v4, vm0, $0xb8;
	[tilespmem:$0x10100] =	vst v63  }
0x32a: {  	s21 =	simm.s32 $0xE100  }
0x32b: {  	[tilespmem:s21], [sflag:$0x2] =	stream.indirect_vreg.gather [hbm4b:s2+s4], $0x80, v3, vm0, $0xb8;
	[tilespmem:$0x10100] =	vst v63  }
0x32c: {  	s22 =	simm.s32 $0xE900  }
0x32d: {  	[tilespmem:s22], [sflag:$0x2] =	stream.indirect_vreg.gather [hbm4b:s8+s4], $0x80, v3, vm0, $0xb8;
	[tilespmem:$0x10100] =	vst v63  }
0x32e: {  	s23 =	simm.s32 $0xF100  }
0x32f: {  	[tilespmem:s23], [sflag:$0x2] =	stream.indirect_vreg.gather [hbm4b:s9+s4], $0x80, v3, vm0, $0xb8;
	[tilespmem:$0x10100] =	vst v63  }
0x330: {  	s24 =	simm.s32 $0xF900  }
0x331: {  	[tilespmem:s24], [sflag:$0x2] =	stream.indirect_vreg.gather [hbm4b:s10+s4], $0x80, v3, vm0, $0xb8;
	[tilespmem:$0x10100] =	vst v63  }
0x332: {  	_ =	swait.ge [sflag:s26], $0x8000  }
0x333: {  	[sflag:s26] =	ssyncset.done $0x0  }
0x334: {  	s25 =	rddreg [dreg:$0x15];
	[sflag:s26] =	ssyncadd.s32 $0xFFFF8000  }
0x335: {  	[hbm4b:s25+s4] =	stream.linear.scatter [tilespmem:s13], [sflag:$0x3], $0x8000, $0x38;
	[tilespmem:$0x10100] =	vst v63  }
0x336: {  	_ =	swait.ge [sflag:s12], $0x8000  }
0x337: {  	[sflag:s12] =	ssyncset.done $0x0  }
0x338: {  	[sflag:s12] =	ssyncadd.s32 $0xFFFF8000  }
0x339: {  	_ =	swait.ge [sflag:s28], $0x8000  }
0x33a: {  	p0 =	sne.s32 s18, $0x1;
	[sflag:s28] =	ssyncset.done $0x0  }
.Ltmp0:
0x33b: {  	s31 =	rddreg [dreg:$0x16];
	[sflag:s28] =	ssyncadd.s32 $0xFFFF8000;
	(pc) =	sbr.rel @p0 .LBB2_1-.Ltmp0, $4  }
0x33c: {  	[hbm4b:s31+s4] =	stream.linear.scatter [tilespmem:s30], [sflag:$0x3], $0x8000, $0x38;
	[tilespmem:$0x10100] =	vst v63  }
0x33d: {  	_ =	swait.ge [sflag:s12], $0x8000  }
0x33e: {  	[sflag:s12] =	ssyncset.done $0x0  }
0x33f: {  	s18 =	sadd.s32 $0xFFFFFFFF, s18;
	[sflag:s12] =	ssyncadd.s32 $0xFFFF8000  }
0x340: {  	_ =	sfence.sel $0x180000  }
0x341: {  	[bflag:$0x0] =	sbarrier.arrive $0xFFFF  }
0x342: {  	_ =	strace $0x90000047  }
0x343: {  	s0 =	stileid.u32;
	[bflag:$0x2] =	sbarrier.arrive $0xFFFF  }
0x344: {  	p0 =	sne.s32 s0, $0x0;
	s0 =	rddreg [dreg:$0x5]  }
0x345: {  	s0 =	sadd.s32 @!p0 $0x100000, s0  }
0x346: {  	[sflag:s0] =	ssyncadd.tile.s32 @!p0 $0x1;
	_ =	shalt  }
.Lfunc_end2:
_tile_overlayer_lowered:
.L_overlay_start_2:
0x347: {  	(tag) =	ssettag $0x2  }
0x348: {  	s0 =	rddreg [dreg:$0x0];
	s2 =	stileid.u32  }
0x349: {  	s1 =	rddreg [dreg:$0x1];
	p0 =	sne.s32 s2, $0x0  }
0x34a: {  	s3 =	rddreg [dreg:$0x2];
	[bflag:$0x3] =	sbarrier.arrive $0xFFFF;
	s2 =	simm.s32 @!p0 $0x1C03  }
0x34b: {  	[timem:s3], [sflag:s2] =	dma.local @!p0 [hbm:s0], s1  }
0x34c: {  	s0 =	simm.s32 @!p0 $0x3  }
0x34d: {  	_ =	swait.ge @!p0 [sflag:s0], s1  }
0x34e: {  	s1 =	ssub.s32 @!p0 $0x0, s1;
	[sflag:s0] =	ssyncset.done @!p0 $0x0  }
0x34f: {  	[sflag:s0] =	ssyncadd.s32 @!p0 s1  }
0x350: {  	[bflag:$0x3] =	sbarrier.arrive $0xFFFF  }
0x351: {  	_ =	shalt  }

</sc_bundles>
